<compile_context>
chip_gen: v7x
topology: tpu7x:2x2x1
jax: 0.10.2.dev20260603
libtpu: 0.0.44.dev20260713+nightly
codegen_flags: <defaults>
</compile_context>

<pallas_src>
import functools

import jax
import jax.numpy as jnp
from jax import lax
from jax.experimental import pallas as pl
from jax.experimental.pallas import tpu as pltpu
from jax.experimental.pallas import tpu_sc as plsc

NW = 32


def _sc_gather(tabT, idxT, bsz, f, d):
    n_planes = f * d
    per_w = n_planes // NW
    schunk = 8192
    assert n_planes % NW == 0
    n_sch = bsz // schunk
    mesh = plsc.VectorSubcoreMesh(core_axis_name="c", subcore_axis_name="s")

    @functools.partial(
        pl.kernel, mesh=mesh,
        out_type=jax.ShapeDtypeStruct((n_planes, bsz), jnp.float32),
        compiler_params=pltpu.CompilerParams(
            use_tc_tiling_on_sc=False, needs_layout_passes=False),
        scratch_types=[
            pltpu.VMEM((tabT.shape[2],), jnp.float32),
            pltpu.VMEM((bsz,), jnp.int32),
            pltpu.VMEM((schunk,), jnp.float32),
            pltpu.SemaphoreType.DMA,
        ],
    )
    def k(tab_hbm, idx_hbm, out_hbm, plane_v, idx_v, out_v, sem):
        wid = lax.axis_index("s") * 2 + lax.axis_index("c")

        def plane_body(j, prev_fi):
            p = wid * per_w + j
            fi = p // d
            dd = p % d
            cp_plane = pltpu.async_copy(tab_hbm.at[fi, dd, :], plane_v, sem)

            @pl.when(fi != prev_fi)
            def _():
                pltpu.sync_copy(idx_hbm.at[fi, :], idx_v)

            cp_plane.wait()

            def chunk_body(c, carry2):
                s0 = c * schunk

                def g_body(g, carry3):
                    base = s0 + g * 64
                    for u in range(4):
                        sl = pl.ds(base + u * 16, 16)
                        osl = pl.ds(g * 64 + u * 16, 16)
                        out_v[osl] = plsc.load_gather(plane_v, [idx_v[sl]])
                    return carry3

                lax.fori_loop(0, schunk // 64, g_body, 0)
                pltpu.sync_copy(out_v, out_hbm.at[p, pl.ds(s0, schunk)])
                return carry2

            lax.fori_loop(0, n_sch, chunk_body, 0)
            return fi

        lax.fori_loop(0, per_w, plane_body, jnp.int32(-1))

    return k(tabT, idxT)


def _tc_mlp(ft2_parts, w1at, w1bft, b1c, w2t, b2c, w3t, b3c, bb, f, d):
    b = ft2_parts[0].shape[1]
    h1 = w1at.shape[0]
    h2 = w2t.shape[0]
    n_parts = len(ft2_parts)

    def body(*refs):
        part_refs = refs[:n_parts]
        (w1a_ref, w1b_ref, b1_ref, w2_ref, b2_ref, w3_ref, b3_ref,
         out_ref) = refs[n_parts:]
        flat_t = jnp.concatenate([r[...] for r in part_refs], axis=0)
        ft = flat_t.reshape(f, d, bb)
        gs = []
        for i in range(f - 1):
            prod = ft[i + 1:] * ft[i][None]
            gs.append(jnp.sum(prod, axis=1))
        gt = jnp.concatenate(gs, axis=0)
        bf = jnp.bfloat16
        h = jnp.dot(w1a_ref[...].astype(bf), flat_t.astype(bf),
                    preferred_element_type=jnp.float32)
        h = h + jnp.dot(w1b_ref[...].astype(bf), gt.astype(bf),
                        preferred_element_type=jnp.float32)
        h = jnp.maximum(h + b1_ref[...], 0.0)
        h = jnp.dot(w2_ref[...].astype(bf), h.astype(bf),
                    preferred_element_type=jnp.float32)
        h = jnp.maximum(h + b2_ref[...], 0.0)
        o = jnp.dot(w3_ref[...].astype(bf), h.astype(bf),
                    preferred_element_type=jnp.float32)
        out_ref[...] = o + b3_ref[...]

    return pl.pallas_call(
        body,
        grid=(b // bb,),
        in_specs=[
            pl.BlockSpec((p.shape[0], bb), lambda i: (0, i))
            for p in ft2_parts
        ] + [
            pl.BlockSpec((h1, f * d), lambda i: (0, 0)),
            pl.BlockSpec((h1, f * (f - 1) // 2), lambda i: (0, 0)),
            pl.BlockSpec((h1, 1), lambda i: (0, 0)),
            pl.BlockSpec((h2, h1), lambda i: (0, 0)),
            pl.BlockSpec((h2, 1), lambda i: (0, 0)),
            pl.BlockSpec((1, h2), lambda i: (0, 0)),
            pl.BlockSpec((1, 1), lambda i: (0, 0)),
        ],
        out_specs=pl.BlockSpec((1, bb), lambda i: (0, i)),
        out_shape=jax.ShapeDtypeStruct((1, b), jnp.float32),
    )(*ft2_parts, w1at, w1bft, b1c, w2t, b2c, w3t, b3c)


def kernel(indices, tables, W1, b1, W2, b2, W3, b3):
    bsz, f = indices.shape
    _, v, d = tables.shape

    tabT = jnp.transpose(tables, (0, 2, 1))
    ft2_parts = [_sc_gather(tabT, indices.T, bsz, f, d)]

    w1a = W1[: f * d]
    w1b = W1[f * d:]

    out2 = _tc_mlp(ft2_parts, w1a.T, w1b.T, b1[:, None], W2.T, b2[:, None],
                   W3.T, b3[None, :], 1024, f, d)
    return out2.reshape(bsz)

# --- scband reference (transcript-rebuilt; emitter-appended) ---
"""Pipeline reference for scband-dlrm-69355131896386 (READ-ONLY COPY).

The authoritative reference and input builder live on the scoring server;
editing this copy changes nothing except your own understanding.
"""

import jax, jax.numpy as jnp
import numpy as np

B = 16384
F = 26
V = 100000
D = 32
H1 = 512
H2 = 256
IN_DIM = F * D + F * (F - 1) // 2  # 832 + 325 = 1157


def setup_inputs(seed: int = 0) -> dict:
    key = jax.random.key(seed)
    ks = jax.random.split(key, 8)
    indices = jax.random.randint(ks[0], (B, F), 0, V, dtype=jnp.int32)
    tables = jax.random.normal(ks[1], (F, V, D), dtype=jnp.float32) * 0.02
    W1 = jax.random.normal(ks[2], (IN_DIM, H1), dtype=jnp.float32) * 0.02
    b1 = jnp.zeros((H1,), dtype=jnp.float32)
    W2 = jax.random.normal(ks[3], (H1, H2), dtype=jnp.float32) * 0.02
    b2 = jnp.zeros((H2,), dtype=jnp.float32)
    W3 = jax.random.normal(ks[4], (H2, 1), dtype=jnp.float32) * 0.02
    b3 = jnp.zeros((1,), dtype=jnp.float32)
    return {"indices": indices, "tables": tables, "W1": W1, "b1": b1,
            "W2": W2, "b2": b2, "W3": W3, "b3": b3}


def reference(indices, tables, W1, b1, W2, b2, W3, b3):
    # per-field embedding lookup (26 separate tables stacked along axis 0)
    feats = tables[jnp.arange(F)[None, :], indices]  # [B, F, D]
    bsz = feats.shape[0]
    flat = feats.reshape(bsz, F * D)  # concat of the 26 embeddings
    # pairwise dot-product interactions, itertools.combinations order (i < j)
    G = jnp.einsum('bfd,bgd->bfg', feats, feats)  # [B, F, F]
    iu, ju = jnp.triu_indices(F, k=1)
    inter = G[:, iu, ju]  # [B, 325]
    joint = jnp.concatenate([flat, inter], axis=1)  # [B, 1157]
    h = jax.nn.relu(joint @ W1 + b1)
    h = jax.nn.relu(h @ W2 + b2)
    out = (h @ W3 + b3).squeeze(-1)  # [B]
    return out

if __name__ == "__main__":
    import jax
    _d = setup_inputs()
    print(jax.jit(kernel)(*tuple(_d.values())))

</pallas_src>

<mosaic_0001>
#map = affine_map<(d0, d1) -> (0, 0, 0)>
#map1 = affine_map<(d0, d1) -> (0, 0)>
module attributes {stable_mosaic.version = 14 : i64} {
  func.func @k(%arg0: i32, %arg1: i32, %arg2: memref<26x32x100000xf32, #tpu.memory_space<hbm>>, %arg3: memref<26x16384xi32, #tpu.memory_space<hbm>>, %arg4: memref<832x16384xf32, #tpu.memory_space<hbm>>, %arg5: memref<100000xf32, #tpu.memory_space<vmem>>, %arg6: memref<16384xi32, #tpu.memory_space<vmem>>, %arg7: memref<8192xf32, #tpu.memory_space<vmem>>, %arg8: memref<!tpu.dma_semaphore, #tpu.memory_space<semaphore_mem>>) attributes {dimension_semantics = [#tpu.dimension_semantics<core_parallel>, #tpu.dimension_semantics<subcore_parallel>], iteration_bounds = array<i64: 2, 16>, scalar_prefetch = 0 : i64, scratch_operands = 4 : i64, tpu.core_type = #tpu.core_type<sc_vector_subcore>, window_params = [{transform_indices = #map}, {transform_indices = #map1}, {transform_indices = #map1}]} {
    %mul3A = arith.constant 2 : i32
    %mul3A_0 = arith.muli %arg1, %mul3A : i32
    %add3A = arith.addi %mul3A_0, %arg0 : i32
    %scan3A = arith.constant -1 : i32
    %scan3A_1 = arith.constant 0 : i32
    %scan3A_2 = arith.constant 26 : i32
    %scan3A_3 = arith.addi %scan3A_1, %scan3A_2 : i32
    %scan3A_4 = arith.constant 1 : i32
    %scan3A_5 = scf.for %scan3A_7 = %scan3A_1 to %scan3A_3 step %scan3A_4 iter_args(%scan3A_8 = %scan3A) -> (i32)  : i32 {
      %mul3A_9 = arith.constant 26 : i32
      %mul3A_10 = arith.muli %add3A, %mul3A_9 : i32
      %add3A_11 = arith.addi %mul3A_10, %scan3A_7 : i32
      %jit3A = arith.constant 32 : i32
      %div3A = arith.divsi %add3A_11, %jit3A : i32
      %sign3A = arith.constant 0 : i32
      %sign3A_12 = arith.cmpi sgt, %add3A_11, %sign3A : i32
      %sign3A_13 = arith.extui %sign3A_12 : i1 to i32
      %sign3A_14 = arith.constant 0 : i32
      %sign3A_15 = arith.cmpi slt, %add3A_11, %sign3A_14 : i32
      %sign3A_16 = arith.extui %sign3A_15 : i1 to i32
      %sign3A_17 = arith.subi %sign3A_13, %sign3A_16 : i32
      %sign3A_18 = arith.constant 0 : i32
      %sign3A_19 = arith.cmpi sgt, %jit3A, %sign3A_18 : i32
      %sign3A_20 = arith.extui %sign3A_19 : i1 to i32
      %sign3A_21 = arith.constant 0 : i32
      %sign3A_22 = arith.cmpi slt, %jit3A, %sign3A_21 : i32
      %sign3A_23 = arith.extui %sign3A_22 : i1 to i32
      %sign3A_24 = arith.subi %sign3A_20, %sign3A_23 : i32
      %ne3A = arith.cmpi ne, %sign3A_17, %sign3A_24 : i32
      %rem3A = arith.remsi %add3A_11, %jit3A : i32
      %ne3A_25 = arith.constant 0 : i32
      %ne3A_26 = arith.cmpi ne, %rem3A, %ne3A_25 : i32
      %and3A = arith.andi %ne3A, %ne3A_26 : i1
      %sub3A = arith.constant 1 : i32
      %sub3A_27 = arith.subi %div3A, %sub3A : i32
      %select_n3A = arith.select %and3A, %sub3A_27, %div3A : i32
      %jit3A_28 = arith.constant 32 : i32
      %eq3A = arith.constant 0 : i32
      %eq3A_29 = arith.cmpi eq, %jit3A_28, %eq3A : i32
      %jit3A_30 = arith.constant 1 : i32
      %select_n3A_31 = arith.select %eq3A_29, %jit3A_30, %jit3A_28 : i32
      %rem3A_32 = arith.remsi %add3A_11, %select_n3A_31 : i32
      %ne3A_33 = arith.constant 0 : i32
      %ne3A_34 = arith.cmpi ne, %rem3A_32, %ne3A_33 : i32
      %lt3A = arith.constant 0 : i32
      %lt3A_35 = arith.cmpi slt, %rem3A_32, %lt3A : i32
      %lt3A_36 = arith.constant 0 : i32
      %lt3A_37 = arith.cmpi slt, %select_n3A_31, %lt3A_36 : i32
      %ne3A_38 = arith.xori %lt3A_35, %lt3A_37 : i1
      %and3A_39 = arith.andi %ne3A_38, %ne3A_34 : i1
      %add3A_40 = arith.addi %rem3A_32, %select_n3A_31 : i32
      %select_n3A_41 = arith.select %and3A_39, %add3A_40, %rem3A_32 : i32
      %dma_start3A = arith.constant 0 : i32
      %dma_start3A_42 = tpu.memref_slice %arg2[%select_n3A, %select_n3A_41, %dma_start3A] : memref<26x32x100000xf32, #tpu.memory_space<hbm>> -> memref<1x1x100000xf32, #tpu.memory_space<hbm>>
      %dma_start3A_43 = tpu.memref_squeeze %dma_start3A_42 : memref<1x1x100000xf32, #tpu.memory_space<hbm>> -> memref<100000xf32, #tpu.memory_space<hbm>>
      %dma_start3A_44 = arith.constant 0 : i32
      %dma_start3A_45 = tpu.memref_slice %arg2[%select_n3A, %select_n3A_41, %dma_start3A_44] : memref<26x32x100000xf32, #tpu.memory_space<hbm>> -> memref<1x1x100000xf32, #tpu.memory_space<hbm>>
      %dma_start3A_46 = tpu.memref_squeeze %dma_start3A_45 : memref<1x1x100000xf32, #tpu.memory_space<hbm>> -> memref<100000xf32, #tpu.memory_space<hbm>>
      tpu.enqueue_dma source(%dma_start3A_46 : memref<100000xf32, #tpu.memory_space<hbm>>) target(%arg5 : memref<100000xf32, #tpu.memory_space<vmem>>) target_semaphore(%arg8 : memref<!tpu.dma_semaphore, #tpu.memory_space<semaphore_mem>>)
      %ne3A_47 = arith.cmpi ne, %select_n3A, %scan3A_8 : i32
      %convert_element_type3A = arith.extui %ne3A_47 : i1 to i32
      %cond3A = arith.constant 0 : i32
      %cond3A_48 = arith.cmpi ne, %convert_element_type3A, %cond3A : i32
      scf.if %cond3A_48 {
        "tpu.region"() ({
          %run_scoped3A = tpu.sem_alloc : memref<!tpu.dma_semaphore, #tpu.memory_space<semaphore_mem>>
          %dma_start3A_60 = arith.constant 0 : i32
          %dma_start3A_61 = tpu.memref_slice %arg3[%select_n3A, %dma_start3A_60] : memref<26x16384xi32, #tpu.memory_space<hbm>> -> memref<1x16384xi32, #tpu.memory_space<hbm>>
          %dma_start3A_62 = tpu.memref_squeeze %dma_start3A_61 : memref<1x16384xi32, #tpu.memory_space<hbm>> -> memref<16384xi32, #tpu.memory_space<hbm>>
          %dma_start3A_63 = arith.constant 0 : i32
          %dma_start3A_64 = tpu.memref_slice %arg3[%select_n3A, %dma_start3A_63] : memref<26x16384xi32, #tpu.memory_space<hbm>> -> memref<1x16384xi32, #tpu.memory_space<hbm>>
          %dma_start3A_65 = tpu.memref_squeeze %dma_start3A_64 : memref<1x16384xi32, #tpu.memory_space<hbm>> -> memref<16384xi32, #tpu.memory_space<hbm>>
          tpu.enqueue_dma source(%dma_start3A_65 : memref<16384xi32, #tpu.memory_space<hbm>>) target(%arg6 : memref<16384xi32, #tpu.memory_space<vmem>>) target_semaphore(%run_scoped3A : memref<!tpu.dma_semaphore, #tpu.memory_space<semaphore_mem>>)
          %dma_wait3A_66 = arith.constant 0 : i32
          %dma_wait3A_67 = tpu.memref_slice %arg3[%select_n3A, %dma_wait3A_66] : memref<26x16384xi32, #tpu.memory_space<hbm>> -> memref<1x16384xi32, #tpu.memory_space<hbm>>
          %dma_wait3A_68 = tpu.memref_squeeze %dma_wait3A_67 : memref<1x16384xi32, #tpu.memory_space<hbm>> -> memref<16384xi32, #tpu.memory_space<hbm>>
          %dma_wait3A_69 = arith.constant 0 : i32
          %dma_wait3A_70 = tpu.memref_slice %arg3[%select_n3A, %dma_wait3A_69] : memref<26x16384xi32, #tpu.memory_space<hbm>> -> memref<1x16384xi32, #tpu.memory_space<hbm>>
          %dma_wait3A_71 = tpu.memref_squeeze %dma_wait3A_70 : memref<1x16384xi32, #tpu.memory_space<hbm>> -> memref<16384xi32, #tpu.memory_space<hbm>>
          tpu.wait_dma2 semaphore(%run_scoped3A : memref<!tpu.dma_semaphore, #tpu.memory_space<semaphore_mem>>) src(%dma_wait3A_71 : memref<16384xi32, #tpu.memory_space<hbm>>) dst(%arg6 : memref<16384xi32, #tpu.memory_space<vmem>>)
          tpu.yield
        }) : () -> ()
      } else {
      }
      %dma_wait3A = arith.constant 0 : i32
      %dma_wait3A_49 = tpu.memref_slice %arg2[%select_n3A, %select_n3A_41, %dma_wait3A] : memref<26x32x100000xf32, #tpu.memory_space<hbm>> -> memref<1x1x100000xf32, #tpu.memory_space<hbm>>
      %dma_wait3A_50 = tpu.memref_squeeze %dma_wait3A_49 : memref<1x1x100000xf32, #tpu.memory_space<hbm>> -> memref<100000xf32, #tpu.memory_space<hbm>>
      %dma_wait3A_51 = arith.constant 0 : i32
      %dma_wait3A_52 = tpu.memref_slice %arg2[%select_n3A, %select_n3A_41, %dma_wait3A_51] : memref<26x32x100000xf32, #tpu.memory_space<hbm>> -> memref<1x1x100000xf32, #tpu.memory_space<hbm>>
      %dma_wait3A_53 = tpu.memref_squeeze %dma_wait3A_52 : memref<1x1x100000xf32, #tpu.memory_space<hbm>> -> memref<100000xf32, #tpu.memory_space<hbm>>
      tpu.wait_dma2 semaphore(%arg8 : memref<!tpu.dma_semaphore, #tpu.memory_space<semaphore_mem>>) src(%dma_wait3A_53 : memref<100000xf32, #tpu.memory_space<hbm>>) dst(%arg5 : memref<100000xf32, #tpu.memory_space<vmem>>)
      %scan3A_54 = arith.constant 0 : i32
      %scan3A_55 = arith.constant 0 : i32
      %scan3A_56 = arith.constant 2 : i32
      %scan3A_57 = arith.addi %scan3A_55, %scan3A_56 : i32
      %scan3A_58 = arith.constant 1 : i32
      scf.for %scan3A_60 = %scan3A_55 to %scan3A_57 step %scan3A_58  : i32 {
        %mul3A_61 = arith.constant 8192 : i32
        %mul3A_62 = arith.muli %scan3A_60, %mul3A_61 : i32
        %scan3A_63 = arith.constant 0 : i32
        %scan3A_64 = arith.constant 0 : i32
        %scan3A_65 = arith.constant 128 : i32
        %scan3A_66 = arith.addi %scan3A_64, %scan3A_65 : i32
        %scan3A_67 = arith.constant 1 : i32
        scf.for %scan3A_69 = %scan3A_64 to %scan3A_66 step %scan3A_67  : i32 {
          %mul3A_70 = arith.constant 64 : i32
          %mul3A_71 = arith.muli %scan3A_69, %mul3A_70 : i32
          %add3A_72 = arith.addi %mul3A_62, %mul3A_71 : i32
          %add3A_73 = arith.constant 0 : i32
          %add3A_74 = arith.addi %add3A_72, %add3A_73 : i32
          %mul3A_75 = arith.constant 64 : i32
          %mul3A_76 = arith.muli %scan3A_69, %mul3A_75 : i32
          %add3A_77 = arith.constant 0 : i32
          %add3A_78 = arith.addi %mul3A_76, %add3A_77 : i32
          %get3A = arith.index_cast %add3A_74 : i32 to index
          %get3A_79 = tpu.vector_load %arg6[%get3A] {strides = array<i32>} : memref<16384xi32, #tpu.memory_space<vmem>>, vector<16xi32>,
          %gather3A = tpu.vector_load_idx %arg5[%get3A_79] : memref<100000xf32, #tpu.memory_space<vmem>>[vector<16xi32>], vector<16xf32>,
          %swap3A = arith.index_cast %add3A_78 : i32 to index
          %swap3A_80 = tpu.vector_load %arg7[%swap3A] {strides = array<i32>} : memref<8192xf32, #tpu.memory_space<vmem>>, vector<16xf32>,
          tpu.vector_store %arg7[%swap3A], %gather3A {strides = array<i32>} : memref<8192xf32, #tpu.memory_space<vmem>>, vector<16xf32>,
          %add3A_81 = arith.constant 16 : i32
          %add3A_82 = arith.addi %add3A_72, %add3A_81 : i32
          %mul3A_83 = arith.constant 64 : i32
          %mul3A_84 = arith.muli %scan3A_69, %mul3A_83 : i32
          %add3A_85 = arith.constant 16 : i32
          %add3A_86 = arith.addi %mul3A_84, %add3A_85 : i32
          %get3A_87 = arith.index_cast %add3A_82 : i32 to index
          %get3A_88 = tpu.vector_load %arg6[%get3A_87] {strides = array<i32>} : memref<16384xi32, #tpu.memory_space<vmem>>, vector<16xi32>,
          %gather3A_89 = tpu.vector_load_idx %arg5[%get3A_88] : memref<100000xf32, #tpu.memory_space<vmem>>[vector<16xi32>], vector<16xf32>,
          %swap3A_90 = arith.index_cast %add3A_86 : i32 to index
          %swap3A_91 = tpu.vector_load %arg7[%swap3A_90] {strides = array<i32>} : memref<8192xf32, #tpu.memory_space<vmem>>, vector<16xf32>,
          tpu.vector_store %arg7[%swap3A_90], %gather3A_89 {strides = array<i32>} : memref<8192xf32, #tpu.memory_space<vmem>>, vector<16xf32>,
          %add3A_92 = arith.constant 32 : i32
          %add3A_93 = arith.addi %add3A_72, %add3A_92 : i32
          %mul3A_94 = arith.constant 64 : i32
          %mul3A_95 = arith.muli %scan3A_69, %mul3A_94 : i32
          %add3A_96 = arith.constant 32 : i32
          %add3A_97 = arith.addi %mul3A_95, %add3A_96 : i32
          %get3A_98 = arith.index_cast %add3A_93 : i32 to index
          %get3A_99 = tpu.vector_load %arg6[%get3A_98] {strides = array<i32>} : memref<16384xi32, #tpu.memory_space<vmem>>, vector<16xi32>,
          %gather3A_100 = tpu.vector_load_idx %arg5[%get3A_99] : memref<100000xf32, #tpu.memory_space<vmem>>[vector<16xi32>], vector<16xf32>,
          %swap3A_101 = arith.index_cast %add3A_97 : i32 to index
          %swap3A_102 = tpu.vector_load %arg7[%swap3A_101] {strides = array<i32>} : memref<8192xf32, #tpu.memory_space<vmem>>, vector<16xf32>,
          tpu.vector_store %arg7[%swap3A_101], %gather3A_100 {strides = array<i32>} : memref<8192xf32, #tpu.memory_space<vmem>>, vector<16xf32>,
          %add3A_103 = arith.constant 48 : i32
          %add3A_104 = arith.addi %add3A_72, %add3A_103 : i32
          %mul3A_105 = arith.constant 64 : i32
          %mul3A_106 = arith.muli %scan3A_69, %mul3A_105 : i32
          %add3A_107 = arith.constant 48 : i32
          %add3A_108 = arith.addi %mul3A_106, %add3A_107 : i32
          %get3A_109 = arith.index_cast %add3A_104 : i32 to index
          %get3A_110 = tpu.vector_load %arg6[%get3A_109] {strides = array<i32>} : memref<16384xi32, #tpu.memory_space<vmem>>, vector<16xi32>,
          %gather3A_111 = tpu.vector_load_idx %arg5[%get3A_110] : memref<100000xf32, #tpu.memory_space<vmem>>[vector<16xi32>], vector<16xf32>,
          %swap3A_112 = arith.index_cast %add3A_108 : i32 to index
          %swap3A_113 = tpu.vector_load %arg7[%swap3A_112] {strides = array<i32>} : memref<8192xf32, #tpu.memory_space<vmem>>, vector<16xf32>,
          tpu.vector_store %arg7[%swap3A_112], %gather3A_111 {strides = array<i32>} : memref<8192xf32, #tpu.memory_space<vmem>>, vector<16xf32>,
        }
        %scan3A_68 = arith.constant 128 : i32
        "tpu.region"() ({
          %run_scoped3A = tpu.sem_alloc : memref<!tpu.dma_semaphore, #tpu.memory_space<semaphore_mem>>
          %dma_start3A_69 = tpu.memref_slice %arg4[%add3A_11, %mul3A_62] : memref<832x16384xf32, #tpu.memory_space<hbm>> -> memref<1x8192xf32, #tpu.memory_space<hbm>>
          %dma_start3A_70 = tpu.memref_squeeze %dma_start3A_69 : memref<1x8192xf32, #tpu.memory_space<hbm>> -> memref<8192xf32, #tpu.memory_space<hbm>>
          %dma_start3A_71 = tpu.memref_slice %arg4[%add3A_11, %mul3A_62] : memref<832x16384xf32, #tpu.memory_space<hbm>> -> memref<1x8192xf32, #tpu.memory_space<hbm>>
          %dma_start3A_72 = tpu.memref_squeeze %dma_start3A_71 : memref<1x8192xf32, #tpu.memory_space<hbm>> -> memref<8192xf32, #tpu.memory_space<hbm>>
          tpu.enqueue_dma source(%arg7 : memref<8192xf32, #tpu.memory_space<vmem>>) target(%dma_start3A_72 : memref<8192xf32, #tpu.memory_space<hbm>>) target_semaphore(%run_scoped3A : memref<!tpu.dma_semaphore, #tpu.memory_space<semaphore_mem>>)
          %dma_wait3A_73 = tpu.memref_slice %arg4[%add3A_11, %mul3A_62] : memref<832x16384xf32, #tpu.memory_space<hbm>> -> memref<1x8192xf32, #tpu.memory_space<hbm>>
          %dma_wait3A_74 = tpu.memref_squeeze %dma_wait3A_73 : memref<1x8192xf32, #tpu.memory_space<hbm>> -> memref<8192xf32, #tpu.memory_space<hbm>>
          %dma_wait3A_75 = tpu.memref_slice %arg4[%add3A_11, %mul3A_62] : memref<832x16384xf32, #tpu.memory_space<hbm>> -> memref<1x8192xf32, #tpu.memory_space<hbm>>
          %dma_wait3A_76 = tpu.memref_squeeze %dma_wait3A_75 : memref<1x8192xf32, #tpu.memory_space<hbm>> -> memref<8192xf32, #tpu.memory_space<hbm>>
          tpu.wait_dma2 semaphore(%run_scoped3A : memref<!tpu.dma_semaphore, #tpu.memory_space<semaphore_mem>>) src(%arg7 : memref<8192xf32, #tpu.memory_space<vmem>>) dst(%dma_wait3A_76 : memref<8192xf32, #tpu.memory_space<hbm>>)
          tpu.yield
        }) : () -> ()
      }
      %scan3A_59 = arith.constant 2 : i32
      scf.yield %select_n3A : i32
    }
    %scan3A_6 = arith.constant 26 : i32
    return
  }
}

module attributes {stable_mosaic.version = 14 : i64} {
  func.func @body(%arg0: i32, %arg1: memref<832x1024xf32, #tpu.memory_space<vmem>>, %arg2: memref<512x832xf32, #tpu.memory_space<vmem>>, %arg3: memref<512x325xf32, #tpu.memory_space<vmem>>, %arg4: memref<512x1xf32, #tpu.memory_space<vmem>>, %arg5: memref<256x512xf32, #tpu.memory_space<vmem>>, %arg6: memref<256x1xf32, #tpu.memory_space<vmem>>, %arg7: memref<1x256xf32, #tpu.memory_space<vmem>>, %arg8: memref<1x1xf32, #tpu.memory_space<vmem>>, %arg9: memref<1x1024xf32, #tpu.memory_space<vmem>>) attributes {dimension_semantics = [#tpu.dimension_semantics<arbitrary>], iteration_bounds = array<i64: 16>, scalar_prefetch = 0 : i64, scratch_operands = 0 : i64, tpu.core_type = #tpu.core_type<tc>, window_params = [{transform_indices = @transform_0, window_bounds = array<i64: 832, 1024>}, {pipeline_mode = #tpu.pipeline_mode<synchronous>, transform_indices = @transform_1, window_bounds = array<i64: 512, 832>}, {pipeline_mode = #tpu.pipeline_mode<synchronous>, transform_indices = @transform_2, window_bounds = array<i64: 512, 325>}, {pipeline_mode = #tpu.pipeline_mode<synchronous>, transform_indices = @transform_3, window_bounds = array<i64: 512, 1>}, {pipeline_mode = #tpu.pipeline_mode<synchronous>, transform_indices = @transform_4, window_bounds = array<i64: 256, 512>}, {pipeline_mode = #tpu.pipeline_mode<synchronous>, transform_indices = @transform_5, window_bounds = array<i64: 256, 1>}, {pipeline_mode = #tpu.pipeline_mode<synchronous>, transform_indices = @transform_6, window_bounds = array<i64: 1, 256>}, {pipeline_mode = #tpu.pipeline_mode<synchronous>, transform_indices = @transform_7, window_bounds = array<i64: 1, 1>}, {transform_indices = @transform_8, window_bounds = array<i64: 1, 1024>}]} {
    %get3A = arith.constant 0 : index
    %get3A_0 = arith.constant 0 : index
    %get3A_1 = vector.load %arg1[%get3A, %get3A_0] : memref<832x1024xf32, #tpu.memory_space<vmem>>, vector<832x1024xf32>
    %reshape3A = vector.shape_cast %get3A_1 : vector<832x1024xf32> to vector<26x32x1024xf32>
    %slice3A = vector.extract_strided_slice %reshape3A {offsets = [1, 0, 0], sizes = [25, 32, 1024], strides = [1, 1, 1]} : vector<26x32x1024xf32> to vector<25x32x1024xf32>
    %slice3A_2 = vector.extract_strided_slice %reshape3A {offsets = [0, 0, 0], sizes = [1, 32, 1024], strides = [1, 1, 1]} : vector<26x32x1024xf32> to vector<1x32x1024xf32>
    %squeeze3A = vector.shape_cast %slice3A_2 : vector<1x32x1024xf32> to vector<32x1024xf32>
    %broadcast_in_dim3A = vector.shape_cast %squeeze3A : vector<32x1024xf32> to vector<1x32x1024xf32>
    %mul3A = vector.broadcast %broadcast_in_dim3A : vector<1x32x1024xf32> to vector<25x32x1024xf32>
    %mul3A_3 = arith.mulf %slice3A, %mul3A : vector<25x32x1024xf32>
    %reduce_sum3A = arith.constant dense<0.000000e+00> : vector<25x1024xf32>
    %reduce_sum3A_4 = vector.multi_reduction <add>, %mul3A_3, %reduce_sum3A [1] : vector<25x32x1024xf32> to vector<25x1024xf32>
    %slice3A_5 = vector.extract_strided_slice %reshape3A {offsets = [2, 0, 0], sizes = [24, 32, 1024], strides = [1, 1, 1]} : vector<26x32x1024xf32> to vector<24x32x1024xf32>
    %slice3A_6 = vector.extract_strided_slice %reshape3A {offsets = [1, 0, 0], sizes = [1, 32, 1024], strides = [1, 1, 1]} : vector<26x32x1024xf32> to vector<1x32x1024xf32>
    %squeeze3A_7 = vector.shape_cast %slice3A_6 : vector<1x32x1024xf32> to vector<32x1024xf32>
    %broadcast_in_dim3A_8 = vector.shape_cast %squeeze3A_7 : vector<32x1024xf32> to vector<1x32x1024xf32>
    %mul3A_9 = vector.broadcast %broadcast_in_dim3A_8 : vector<1x32x1024xf32> to vector<24x32x1024xf32>
    %mul3A_10 = arith.mulf %slice3A_5, %mul3A_9 : vector<24x32x1024xf32>
    %reduce_sum3A_11 = arith.constant dense<0.000000e+00> : vector<24x1024xf32>
    %reduce_sum3A_12 = vector.multi_reduction <add>, %mul3A_10, %reduce_sum3A_11 [1] : vector<24x32x1024xf32> to vector<24x1024xf32>
    %slice3A_13 = vector.extract_strided_slice %reshape3A {offsets = [3, 0, 0], sizes = [23, 32, 1024], strides = [1, 1, 1]} : vector<26x32x1024xf32> to vector<23x32x1024xf32>
    %slice3A_14 = vector.extract_strided_slice %reshape3A {offsets = [2, 0, 0], sizes = [1, 32, 1024], strides = [1, 1, 1]} : vector<26x32x1024xf32> to vector<1x32x1024xf32>
    %squeeze3A_15 = vector.shape_cast %slice3A_14 : vector<1x32x1024xf32> to vector<32x1024xf32>
    %broadcast_in_dim3A_16 = vector.shape_cast %squeeze3A_15 : vector<32x1024xf32> to vector<1x32x1024xf32>
    %mul3A_17 = vector.broadcast %broadcast_in_dim3A_16 : vector<1x32x1024xf32> to vector<23x32x1024xf32>
    %mul3A_18 = arith.mulf %slice3A_13, %mul3A_17 : vector<23x32x1024xf32>
    %reduce_sum3A_19 = arith.constant dense<0.000000e+00> : vector<23x1024xf32>
    %reduce_sum3A_20 = vector.multi_reduction <add>, %mul3A_18, %reduce_sum3A_19 [1] : vector<23x32x1024xf32> to vector<23x1024xf32>
    %slice3A_21 = vector.extract_strided_slice %reshape3A {offsets = [4, 0, 0], sizes = [22, 32, 1024], strides = [1, 1, 1]} : vector<26x32x1024xf32> to vector<22x32x1024xf32>
    %slice3A_22 = vector.extract_strided_slice %reshape3A {offsets = [3, 0, 0], sizes = [1, 32, 1024], strides = [1, 1, 1]} : vector<26x32x1024xf32> to vector<1x32x1024xf32>
    %squeeze3A_23 = vector.shape_cast %slice3A_22 : vector<1x32x1024xf32> to vector<32x1024xf32>
    %broadcast_in_dim3A_24 = vector.shape_cast %squeeze3A_23 : vector<32x1024xf32> to vector<1x32x1024xf32>
    %mul3A_25 = vector.broadcast %broadcast_in_dim3A_24 : vector<1x32x1024xf32> to vector<22x32x1024xf32>
    %mul3A_26 = arith.mulf %slice3A_21, %mul3A_25 : vector<22x32x1024xf32>
    %reduce_sum3A_27 = arith.constant dense<0.000000e+00> : vector<22x1024xf32>
    %reduce_sum3A_28 = vector.multi_reduction <add>, %mul3A_26, %reduce_sum3A_27 [1] : vector<22x32x1024xf32> to vector<22x1024xf32>
    %slice3A_29 = vector.extract_strided_slice %reshape3A {offsets = [5, 0, 0], sizes = [21, 32, 1024], strides = [1, 1, 1]} : vector<26x32x1024xf32> to vector<21x32x1024xf32>
    %slice3A_30 = vector.extract_strided_slice %reshape3A {offsets = [4, 0, 0], sizes = [1, 32, 1024], strides = [1, 1, 1]} : vector<26x32x1024xf32> to vector<1x32x1024xf32>
    %squeeze3A_31 = vector.shape_cast %slice3A_30 : vector<1x32x1024xf32> to vector<32x1024xf32>
    %broadcast_in_dim3A_32 = vector.shape_cast %squeeze3A_31 : vector<32x1024xf32> to vector<1x32x1024xf32>
    %mul3A_33 = vector.broadcast %broadcast_in_dim3A_32 : vector<1x32x1024xf32> to vector<21x32x1024xf32>
    %mul3A_34 = arith.mulf %slice3A_29, %mul3A_33 : vector<21x32x1024xf32>
    %reduce_sum3A_35 = arith.constant dense<0.000000e+00> : vector<21x1024xf32>
    %reduce_sum3A_36 = vector.multi_reduction <add>, %mul3A_34, %reduce_sum3A_35 [1] : vector<21x32x1024xf32> to vector<21x1024xf32>
    %slice3A_37 = vector.extract_strided_slice %reshape3A {offsets = [6, 0, 0], sizes = [20, 32, 1024], strides = [1, 1, 1]} : vector<26x32x1024xf32> to vector<20x32x1024xf32>
    %slice3A_38 = vector.extract_strided_slice %reshape3A {offsets = [5, 0, 0], sizes = [1, 32, 1024], strides = [1, 1, 1]} : vector<26x32x1024xf32> to vector<1x32x1024xf32>
    %squeeze3A_39 = vector.shape_cast %slice3A_38 : vector<1x32x1024xf32> to vector<32x1024xf32>
    %broadcast_in_dim3A_40 = vector.shape_cast %squeeze3A_39 : vector<32x1024xf32> to vector<1x32x1024xf32>
    %mul3A_41 = vector.broadcast %broadcast_in_dim3A_40 : vector<1x32x1024xf32> to vector<20x32x1024xf32>
    %mul3A_42 = arith.mulf %slice3A_37, %mul3A_41 : vector<20x32x1024xf32>
    %reduce_sum3A_43 = arith.constant dense<0.000000e+00> : vector<20x1024xf32>
    %reduce_sum3A_44 = vector.multi_reduction <add>, %mul3A_42, %reduce_sum3A_43 [1] : vector<20x32x1024xf32> to vector<20x1024xf32>
    %slice3A_45 = vector.extract_strided_slice %reshape3A {offsets = [7, 0, 0], sizes = [19, 32, 1024], strides = [1, 1, 1]} : vector<26x32x1024xf32> to vector<19x32x1024xf32>
    %slice3A_46 = vector.extract_strided_slice %reshape3A {offsets = [6, 0, 0], sizes = [1, 32, 1024], strides = [1, 1, 1]} : vector<26x32x1024xf32> to vector<1x32x1024xf32>
    %squeeze3A_47 = vector.shape_cast %slice3A_46 : vector<1x32x1024xf32> to vector<32x1024xf32>
    %broadcast_in_dim3A_48 = vector.shape_cast %squeeze3A_47 : vector<32x1024xf32> to vector<1x32x1024xf32>
    %mul3A_49 = vector.broadcast %broadcast_in_dim3A_48 : vector<1x32x1024xf32> to vector<19x32x1024xf32>
    %mul3A_50 = arith.mulf %slice3A_45, %mul3A_49 : vector<19x32x1024xf32>
    %reduce_sum3A_51 = arith.constant dense<0.000000e+00> : vector<19x1024xf32>
    %reduce_sum3A_52 = vector.multi_reduction <add>, %mul3A_50, %reduce_sum3A_51 [1] : vector<19x32x1024xf32> to vector<19x1024xf32>
    %slice3A_53 = vector.extract_strided_slice %reshape3A {offsets = [8, 0, 0], sizes = [18, 32, 1024], strides = [1, 1, 1]} : vector<26x32x1024xf32> to vector<18x32x1024xf32>
    %slice3A_54 = vector.extract_strided_slice %reshape3A {offsets = [7, 0, 0], sizes = [1, 32, 1024], strides = [1, 1, 1]} : vector<26x32x1024xf32> to vector<1x32x1024xf32>
    %squeeze3A_55 = vector.shape_cast %slice3A_54 : vector<1x32x1024xf32> to vector<32x1024xf32>
    %broadcast_in_dim3A_56 = vector.shape_cast %squeeze3A_55 : vector<32x1024xf32> to vector<1x32x1024xf32>
    %mul3A_57 = vector.broadcast %broadcast_in_dim3A_56 : vector<1x32x1024xf32> to vector<18x32x1024xf32>
    %mul3A_58 = arith.mulf %slice3A_53, %mul3A_57 : vector<18x32x1024xf32>
    %reduce_sum3A_59 = arith.constant dense<0.000000e+00> : vector<18x1024xf32>
    %reduce_sum3A_60 = vector.multi_reduction <add>, %mul3A_58, %reduce_sum3A_59 [1] : vector<18x32x1024xf32> to vector<18x1024xf32>
    %slice3A_61 = vector.extract_strided_slice %reshape3A {offsets = [9, 0, 0], sizes = [17, 32, 1024], strides = [1, 1, 1]} : vector<26x32x1024xf32> to vector<17x32x1024xf32>
    %slice3A_62 = vector.extract_strided_slice %reshape3A {offsets = [8, 0, 0], sizes = [1, 32, 1024], strides = [1, 1, 1]} : vector<26x32x1024xf32> to vector<1x32x1024xf32>
    %squeeze3A_63 = vector.shape_cast %slice3A_62 : vector<1x32x1024xf32> to vector<32x1024xf32>
    %broadcast_in_dim3A_64 = vector.shape_cast %squeeze3A_63 : vector<32x1024xf32> to vector<1x32x1024xf32>
    %mul3A_65 = vector.broadcast %broadcast_in_dim3A_64 : vector<1x32x1024xf32> to vector<17x32x1024xf32>
    %mul3A_66 = arith.mulf %slice3A_61, %mul3A_65 : vector<17x32x1024xf32>
    %reduce_sum3A_67 = arith.constant dense<0.000000e+00> : vector<17x1024xf32>
    %reduce_sum3A_68 = vector.multi_reduction <add>, %mul3A_66, %reduce_sum3A_67 [1] : vector<17x32x1024xf32> to vector<17x1024xf32>
    %slice3A_69 = vector.extract_strided_slice %reshape3A {offsets = [10, 0, 0], sizes = [16, 32, 1024], strides = [1, 1, 1]} : vector<26x32x1024xf32> to vector<16x32x1024xf32>
    %slice3A_70 = vector.extract_strided_slice %reshape3A {offsets = [9, 0, 0], sizes = [1, 32, 1024], strides = [1, 1, 1]} : vector<26x32x1024xf32> to vector<1x32x1024xf32>
    %squeeze3A_71 = vector.shape_cast %slice3A_70 : vector<1x32x1024xf32> to vector<32x1024xf32>
    %broadcast_in_dim3A_72 = vector.shape_cast %squeeze3A_71 : vector<32x1024xf32> to vector<1x32x1024xf32>
    %mul3A_73 = vector.broadcast %broadcast_in_dim3A_72 : vector<1x32x1024xf32> to vector<16x32x1024xf32>
    %mul3A_74 = arith.mulf %slice3A_69, %mul3A_73 : vector<16x32x1024xf32>
    %reduce_sum3A_75 = arith.constant dense<0.000000e+00> : vector<16x1024xf32>
    %reduce_sum3A_76 = vector.multi_reduction <add>, %mul3A_74, %reduce_sum3A_75 [1] : vector<16x32x1024xf32> to vector<16x1024xf32>
    %slice3A_77 = vector.extract_strided_slice %reshape3A {offsets = [11, 0, 0], sizes = [15, 32, 1024], strides = [1, 1, 1]} : vector<26x32x1024xf32> to vector<15x32x1024xf32>
    %slice3A_78 = vector.extract_strided_slice %reshape3A {offsets = [10, 0, 0], sizes = [1, 32, 1024], strides = [1, 1, 1]} : vector<26x32x1024xf32> to vector<1x32x1024xf32>
    %squeeze3A_79 = vector.shape_cast %slice3A_78 : vector<1x32x1024xf32> to vector<32x1024xf32>
    %broadcast_in_dim3A_80 = vector.shape_cast %squeeze3A_79 : vector<32x1024xf32> to vector<1x32x1024xf32>
    %mul3A_81 = vector.broadcast %broadcast_in_dim3A_80 : vector<1x32x1024xf32> to vector<15x32x1024xf32>
    %mul3A_82 = arith.mulf %slice3A_77, %mul3A_81 : vector<15x32x1024xf32>
    %reduce_sum3A_83 = arith.constant dense<0.000000e+00> : vector<15x1024xf32>
    %reduce_sum3A_84 = vector.multi_reduction <add>, %mul3A_82, %reduce_sum3A_83 [1] : vector<15x32x1024xf32> to vector<15x1024xf32>
    %slice3A_85 = vector.extract_strided_slice %reshape3A {offsets = [12, 0, 0], sizes = [14, 32, 1024], strides = [1, 1, 1]} : vector<26x32x1024xf32> to vector<14x32x1024xf32>
    %slice3A_86 = vector.extract_strided_slice %reshape3A {offsets = [11, 0, 0], sizes = [1, 32, 1024], strides = [1, 1, 1]} : vector<26x32x1024xf32> to vector<1x32x1024xf32>
    %squeeze3A_87 = vector.shape_cast %slice3A_86 : vector<1x32x1024xf32> to vector<32x1024xf32>
    %broadcast_in_dim3A_88 = vector.shape_cast %squeeze3A_87 : vector<32x1024xf32> to vector<1x32x1024xf32>
    %mul3A_89 = vector.broadcast %broadcast_in_dim3A_88 : vector<1x32x1024xf32> to vector<14x32x1024xf32>
    %mul3A_90 = arith.mulf %slice3A_85, %mul3A_89 : vector<14x32x1024xf32>
    %reduce_sum3A_91 = arith.constant dense<0.000000e+00> : vector<14x1024xf32>
    %reduce_sum3A_92 = vector.multi_reduction <add>, %mul3A_90, %reduce_sum3A_91 [1] : vector<14x32x1024xf32> to vector<14x1024xf32>
    %slice3A_93 = vector.extract_strided_slice %reshape3A {offsets = [13, 0, 0], sizes = [13, 32, 1024], strides = [1, 1, 1]} : vector<26x32x1024xf32> to vector<13x32x1024xf32>
    %slice3A_94 = vector.extract_strided_slice %reshape3A {offsets = [12, 0, 0], sizes = [1, 32, 1024], strides = [1, 1, 1]} : vector<26x32x1024xf32> to vector<1x32x1024xf32>
    %squeeze3A_95 = vector.shape_cast %slice3A_94 : vector<1x32x1024xf32> to vector<32x1024xf32>
    %broadcast_in_dim3A_96 = vector.shape_cast %squeeze3A_95 : vector<32x1024xf32> to vector<1x32x1024xf32>
    %mul3A_97 = vector.broadcast %broadcast_in_dim3A_96 : vector<1x32x1024xf32> to vector<13x32x1024xf32>
    %mul3A_98 = arith.mulf %slice3A_93, %mul3A_97 : vector<13x32x1024xf32>
    %reduce_sum3A_99 = arith.constant dense<0.000000e+00> : vector<13x1024xf32>
    %reduce_sum3A_100 = vector.multi_reduction <add>, %mul3A_98, %reduce_sum3A_99 [1] : vector<13x32x1024xf32> to vector<13x1024xf32>
    %slice3A_101 = vector.extract_strided_slice %reshape3A {offsets = [14, 0, 0], sizes = [12, 32, 1024], strides = [1, 1, 1]} : vector<26x32x1024xf32> to vector<12x32x1024xf32>
    %slice3A_102 = vector.extract_strided_slice %reshape3A {offsets = [13, 0, 0], sizes = [1, 32, 1024], strides = [1, 1, 1]} : vector<26x32x1024xf32> to vector<1x32x1024xf32>
    %squeeze3A_103 = vector.shape_cast %slice3A_102 : vector<1x32x1024xf32> to vector<32x1024xf32>
    %broadcast_in_dim3A_104 = vector.shape_cast %squeeze3A_103 : vector<32x1024xf32> to vector<1x32x1024xf32>
    %mul3A_105 = vector.broadcast %broadcast_in_dim3A_104 : vector<1x32x1024xf32> to vector<12x32x1024xf32>
    %mul3A_106 = arith.mulf %slice3A_101, %mul3A_105 : vector<12x32x1024xf32>
    %reduce_sum3A_107 = arith.constant dense<0.000000e+00> : vector<12x1024xf32>
    %reduce_sum3A_108 = vector.multi_reduction <add>, %mul3A_106, %reduce_sum3A_107 [1] : vector<12x32x1024xf32> to vector<12x1024xf32>
    %slice3A_109 = vector.extract_strided_slice %reshape3A {offsets = [15, 0, 0], sizes = [11, 32, 1024], strides = [1, 1, 1]} : vector<26x32x1024xf32> to vector<11x32x1024xf32>
    %slice3A_110 = vector.extract_strided_slice %reshape3A {offsets = [14, 0, 0], sizes = [1, 32, 1024], strides = [1, 1, 1]} : vector<26x32x1024xf32> to vector<1x32x1024xf32>
    %squeeze3A_111 = vector.shape_cast %slice3A_110 : vector<1x32x1024xf32> to vector<32x1024xf32>
    %broadcast_in_dim3A_112 = vector.shape_cast %squeeze3A_111 : vector<32x1024xf32> to vector<1x32x1024xf32>
    %mul3A_113 = vector.broadcast %broadcast_in_dim3A_112 : vector<1x32x1024xf32> to vector<11x32x1024xf32>
    %mul3A_114 = arith.mulf %slice3A_109, %mul3A_113 : vector<11x32x1024xf32>
    %reduce_sum3A_115 = arith.constant dense<0.000000e+00> : vector<11x1024xf32>
    %reduce_sum3A_116 = vector.multi_reduction <add>, %mul3A_114, %reduce_sum3A_115 [1] : vector<11x32x1024xf32> to vector<11x1024xf32>
    %slice3A_117 = vector.extract_strided_slice %reshape3A {offsets = [16, 0, 0], sizes = [10, 32, 1024], strides = [1, 1, 1]} : vector<26x32x1024xf32> to vector<10x32x1024xf32>
    %slice3A_118 = vector.extract_strided_slice %reshape3A {offsets = [15, 0, 0], sizes = [1, 32, 1024], strides = [1, 1, 1]} : vector<26x32x1024xf32> to vector<1x32x1024xf32>
    %squeeze3A_119 = vector.shape_cast %slice3A_118 : vector<1x32x1024xf32> to vector<32x1024xf32>
    %broadcast_in_dim3A_120 = vector.shape_cast %squeeze3A_119 : vector<32x1024xf32> to vector<1x32x1024xf32>
    %mul3A_121 = vector.broadcast %broadcast_in_dim3A_120 : vector<1x32x1024xf32> to vector<10x32x1024xf32>
    %mul3A_122 = arith.mulf %slice3A_117, %mul3A_121 : vector<10x32x1024xf32>
    %reduce_sum3A_123 = arith.constant dense<0.000000e+00> : vector<10x1024xf32>
    %reduce_sum3A_124 = vector.multi_reduction <add>, %mul3A_122, %reduce_sum3A_123 [1] : vector<10x32x1024xf32> to vector<10x1024xf32>
    %slice3A_125 = vector.extract_strided_slice %reshape3A {offsets = [17, 0, 0], sizes = [9, 32, 1024], strides = [1, 1, 1]} : vector<26x32x1024xf32> to vector<9x32x1024xf32>
    %slice3A_126 = vector.extract_strided_slice %reshape3A {offsets = [16, 0, 0], sizes = [1, 32, 1024], strides = [1, 1, 1]} : vector<26x32x1024xf32> to vector<1x32x1024xf32>
    %squeeze3A_127 = vector.shape_cast %slice3A_126 : vector<1x32x1024xf32> to vector<32x1024xf32>
    %broadcast_in_dim3A_128 = vector.shape_cast %squeeze3A_127 : vector<32x1024xf32> to vector<1x32x1024xf32>
    %mul3A_129 = vector.broadcast %broadcast_in_dim3A_128 : vector<1x32x1024xf32> to vector<9x32x1024xf32>
    %mul3A_130 = arith.mulf %slice3A_125, %mul3A_129 : vector<9x32x1024xf32>
    %reduce_sum3A_131 = arith.constant dense<0.000000e+00> : vector<9x1024xf32>
    %reduce_sum3A_132 = vector.multi_reduction <add>, %mul3A_130, %reduce_sum3A_131 [1] : vector<9x32x1024xf32> to vector<9x1024xf32>
    %slice3A_133 = vector.extract_strided_slice %reshape3A {offsets = [18, 0, 0], sizes = [8, 32, 1024], strides = [1, 1, 1]} : vector<26x32x1024xf32> to vector<8x32x1024xf32>
    %slice3A_134 = vector.extract_strided_slice %reshape3A {offsets = [17, 0, 0], sizes = [1, 32, 1024], strides = [1, 1, 1]} : vector<26x32x1024xf32> to vector<1x32x1024xf32>
    %squeeze3A_135 = vector.shape_cast %slice3A_134 : vector<1x32x1024xf32> to vector<32x1024xf32>
    %broadcast_in_dim3A_136 = vector.shape_cast %squeeze3A_135 : vector<32x1024xf32> to vector<1x32x1024xf32>
    %mul3A_137 = vector.broadcast %broadcast_in_dim3A_136 : vector<1x32x1024xf32> to vector<8x32x1024xf32>
    %mul3A_138 = arith.mulf %slice3A_133, %mul3A_137 : vector<8x32x1024xf32>
    %reduce_sum3A_139 = arith.constant dense<0.000000e+00> : vector<8x1024xf32>
    %reduce_sum3A_140 = vector.multi_reduction <add>, %mul3A_138, %reduce_sum3A_139 [1] : vector<8x32x1024xf32> to vector<8x1024xf32>
    %slice3A_141 = vector.extract_strided_slice %reshape3A {offsets = [19, 0, 0], sizes = [7, 32, 1024], strides = [1, 1, 1]} : vector<26x32x1024xf32> to vector<7x32x1024xf32>
    %slice3A_142 = vector.extract_strided_slice %reshape3A {offsets = [18, 0, 0], sizes = [1, 32, 1024], strides = [1, 1, 1]} : vector<26x32x1024xf32> to vector<1x32x1024xf32>
    %squeeze3A_143 = vector.shape_cast %slice3A_142 : vector<1x32x1024xf32> to vector<32x1024xf32>
    %broadcast_in_dim3A_144 = vector.shape_cast %squeeze3A_143 : vector<32x1024xf32> to vector<1x32x1024xf32>
    %mul3A_145 = vector.broadcast %broadcast_in_dim3A_144 : vector<1x32x1024xf32> to vector<7x32x1024xf32>
    %mul3A_146 = arith.mulf %slice3A_141, %mul3A_145 : vector<7x32x1024xf32>
    %reduce_sum3A_147 = arith.constant dense<0.000000e+00> : vector<7x1024xf32>
    %reduce_sum3A_148 = vector.multi_reduction <add>, %mul3A_146, %reduce_sum3A_147 [1] : vector<7x32x1024xf32> to vector<7x1024xf32>
    %slice3A_149 = vector.extract_strided_slice %reshape3A {offsets = [20, 0, 0], sizes = [6, 32, 1024], strides = [1, 1, 1]} : vector<26x32x1024xf32> to vector<6x32x1024xf32>
    %slice3A_150 = vector.extract_strided_slice %reshape3A {offsets = [19, 0, 0], sizes = [1, 32, 1024], strides = [1, 1, 1]} : vector<26x32x1024xf32> to vector<1x32x1024xf32>
    %squeeze3A_151 = vector.shape_cast %slice3A_150 : vector<1x32x1024xf32> to vector<32x1024xf32>
    %broadcast_in_dim3A_152 = vector.shape_cast %squeeze3A_151 : vector<32x1024xf32> to vector<1x32x1024xf32>
    %mul3A_153 = vector.broadcast %broadcast_in_dim3A_152 : vector<1x32x1024xf32> to vector<6x32x1024xf32>
    %mul3A_154 = arith.mulf %slice3A_149, %mul3A_153 : vector<6x32x1024xf32>
    %reduce_sum3A_155 = arith.constant dense<0.000000e+00> : vector<6x1024xf32>
    %reduce_sum3A_156 = vector.multi_reduction <add>, %mul3A_154, %reduce_sum3A_155 [1] : vector<6x32x1024xf32> to vector<6x1024xf32>
    %slice3A_157 = vector.extract_strided_slice %reshape3A {offsets = [21, 0, 0], sizes = [5, 32, 1024], strides = [1, 1, 1]} : vector<26x32x1024xf32> to vector<5x32x1024xf32>
    %slice3A_158 = vector.extract_strided_slice %reshape3A {offsets = [20, 0, 0], sizes = [1, 32, 1024], strides = [1, 1, 1]} : vector<26x32x1024xf32> to vector<1x32x1024xf32>
    %squeeze3A_159 = vector.shape_cast %slice3A_158 : vector<1x32x1024xf32> to vector<32x1024xf32>
    %broadcast_in_dim3A_160 = vector.shape_cast %squeeze3A_159 : vector<32x1024xf32> to vector<1x32x1024xf32>
    %mul3A_161 = vector.broadcast %broadcast_in_dim3A_160 : vector<1x32x1024xf32> to vector<5x32x1024xf32>
    %mul3A_162 = arith.mulf %slice3A_157, %mul3A_161 : vector<5x32x1024xf32>
    %reduce_sum3A_163 = arith.constant dense<0.000000e+00> : vector<5x1024xf32>
    %reduce_sum3A_164 = vector.multi_reduction <add>, %mul3A_162, %reduce_sum3A_163 [1] : vector<5x32x1024xf32> to vector<5x1024xf32>
    %slice3A_165 = vector.extract_strided_slice %reshape3A {offsets = [22, 0, 0], sizes = [4, 32, 1024], strides = [1, 1, 1]} : vector<26x32x1024xf32> to vector<4x32x1024xf32>
    %slice3A_166 = vector.extract_strided_slice %reshape3A {offsets = [21, 0, 0], sizes = [1, 32, 1024], strides = [1, 1, 1]} : vector<26x32x1024xf32> to vector<1x32x1024xf32>
    %squeeze3A_167 = vector.shape_cast %slice3A_166 : vector<1x32x1024xf32> to vector<32x1024xf32>
    %broadcast_in_dim3A_168 = vector.shape_cast %squeeze3A_167 : vector<32x1024xf32> to vector<1x32x1024xf32>
    %mul3A_169 = vector.broadcast %broadcast_in_dim3A_168 : vector<1x32x1024xf32> to vector<4x32x1024xf32>
    %mul3A_170 = arith.mulf %slice3A_165, %mul3A_169 : vector<4x32x1024xf32>
    %reduce_sum3A_171 = arith.constant dense<0.000000e+00> : vector<4x1024xf32>
    %reduce_sum3A_172 = vector.multi_reduction <add>, %mul3A_170, %reduce_sum3A_171 [1] : vector<4x32x1024xf32> to vector<4x1024xf32>
    %slice3A_173 = vector.extract_strided_slice %reshape3A {offsets = [23, 0, 0], sizes = [3, 32, 1024], strides = [1, 1, 1]} : vector<26x32x1024xf32> to vector<3x32x1024xf32>
    %slice3A_174 = vector.extract_strided_slice %reshape3A {offsets = [22, 0, 0], sizes = [1, 32, 1024], strides = [1, 1, 1]} : vector<26x32x1024xf32> to vector<1x32x1024xf32>
    %squeeze3A_175 = vector.shape_cast %slice3A_174 : vector<1x32x1024xf32> to vector<32x1024xf32>
    %broadcast_in_dim3A_176 = vector.shape_cast %squeeze3A_175 : vector<32x1024xf32> to vector<1x32x1024xf32>
    %mul3A_177 = vector.broadcast %broadcast_in_dim3A_176 : vector<1x32x1024xf32> to vector<3x32x1024xf32>
    %mul3A_178 = arith.mulf %slice3A_173, %mul3A_177 : vector<3x32x1024xf32>
    %reduce_sum3A_179 = arith.constant dense<0.000000e+00> : vector<3x1024xf32>
    %reduce_sum3A_180 = vector.multi_reduction <add>, %mul3A_178, %reduce_sum3A_179 [1] : vector<3x32x1024xf32> to vector<3x1024xf32>
    %slice3A_181 = vector.extract_strided_slice %reshape3A {offsets = [24, 0, 0], sizes = [2, 32, 1024], strides = [1, 1, 1]} : vector<26x32x1024xf32> to vector<2x32x1024xf32>
    %slice3A_182 = vector.extract_strided_slice %reshape3A {offsets = [23, 0, 0], sizes = [1, 32, 1024], strides = [1, 1, 1]} : vector<26x32x1024xf32> to vector<1x32x1024xf32>
    %squeeze3A_183 = vector.shape_cast %slice3A_182 : vector<1x32x1024xf32> to vector<32x1024xf32>
    %broadcast_in_dim3A_184 = vector.shape_cast %squeeze3A_183 : vector<32x1024xf32> to vector<1x32x1024xf32>
    %mul3A_185 = vector.broadcast %broadcast_in_dim3A_184 : vector<1x32x1024xf32> to vector<2x32x1024xf32>
    %mul3A_186 = arith.mulf %slice3A_181, %mul3A_185 : vector<2x32x1024xf32>
    %reduce_sum3A_187 = arith.constant dense<0.000000e+00> : vector<2x1024xf32>
    %reduce_sum3A_188 = vector.multi_reduction <add>, %mul3A_186, %reduce_sum3A_187 [1] : vector<2x32x1024xf32> to vector<2x1024xf32>
    %slice3A_189 = vector.extract_strided_slice %reshape3A {offsets = [25, 0, 0], sizes = [1, 32, 1024], strides = [1, 1, 1]} : vector<26x32x1024xf32> to vector<1x32x1024xf32>
    %slice3A_190 = vector.extract_strided_slice %reshape3A {offsets = [24, 0, 0], sizes = [1, 32, 1024], strides = [1, 1, 1]} : vector<26x32x1024xf32> to vector<1x32x1024xf32>
    %squeeze3A_191 = vector.shape_cast %slice3A_190 : vector<1x32x1024xf32> to vector<32x1024xf32>
    %broadcast_in_dim3A_192 = vector.shape_cast %squeeze3A_191 : vector<32x1024xf32> to vector<1x32x1024xf32>
    %mul3A_193 = arith.mulf %slice3A_189, %broadcast_in_dim3A_192 : vector<1x32x1024xf32>
    %reduce_sum3A_194 = arith.constant dense<0.000000e+00> : vector<1x1024xf32>
    %reduce_sum3A_195 = vector.multi_reduction <add>, %mul3A_193, %reduce_sum3A_194 [1] : vector<1x32x1024xf32> to vector<1x1024xf32>
    %concatenate3A = tpu.concatenate %reduce_sum3A_4, %reduce_sum3A_12, %reduce_sum3A_20, %reduce_sum3A_28, %reduce_sum3A_36, %reduce_sum3A_44, %reduce_sum3A_52, %reduce_sum3A_60, %reduce_sum3A_68, %reduce_sum3A_76, %reduce_sum3A_84, %reduce_sum3A_92, %reduce_sum3A_100, %reduce_sum3A_108, %reduce_sum3A_116, %reduce_sum3A_124, %reduce_sum3A_132, %reduce_sum3A_140, %reduce_sum3A_148, %reduce_sum3A_156, %reduce_sum3A_164, %reduce_sum3A_172, %reduce_sum3A_180, %reduce_sum3A_188, %reduce_sum3A_195 in 0 : vector<25x1024xf32>, vector<24x1024xf32>, vector<23x1024xf32>, vector<22x1024xf32>, vector<21x1024xf32>, vector<20x1024xf32>, vector<19x1024xf32>, vector<18x1024xf32>, vector<17x1024xf32>, vector<16x1024xf32>, vector<15x1024xf32>, vector<14x1024xf32>, vector<13x1024xf32>, vector<12x1024xf32>, vector<11x1024xf32>, vector<10x1024xf32>, vector<9x1024xf32>, vector<8x1024xf32>, vector<7x1024xf32>, vector<6x1024xf32>, vector<5x1024xf32>, vector<4x1024xf32>, vector<3x1024xf32>, vector<2x1024xf32>, vector<1x1024xf32> -> vector<325x1024xf32>
    %get3A_196 = arith.constant 0 : index
    %get3A_197 = arith.constant 0 : index
    %get3A_198 = vector.load %arg2[%get3A_196, %get3A_197] : memref<512x832xf32, #tpu.memory_space<vmem>>, vector<512x832xf32>
    %convert_element_type3A = arith.truncf %get3A_198 : vector<512x832xf32> to vector<512x832xbf16>
    %convert_element_type3A_199 = arith.truncf %get3A_1 : vector<832x1024xf32> to vector<832x1024xbf16>
    %dot_general3A = arith.constant dense<0.000000e+00> : vector<512x1024xf32>
    %dot_general3A_200 = tpu.matmul %convert_element_type3A, %convert_element_type3A_199, %dot_general3A {dimension_numbers = #tpu.dot_dimension_numbers<[1], [0], [0], [1], [0, 0, 1, 1], [], []>, transpose_lhs_hint = false} : vector<512x832xbf16>, vector<832x1024xbf16>, vector<512x1024xf32> -> vector<512x1024xf32>
    %get3A_201 = arith.constant 0 : index
    %get3A_202 = arith.constant 0 : index
    %get3A_203 = vector.load %arg3[%get3A_201, %get3A_202] : memref<512x325xf32, #tpu.memory_space<vmem>>, vector<512x325xf32>
    %convert_element_type3A_204 = arith.truncf %get3A_203 : vector<512x325xf32> to vector<512x325xbf16>
    %convert_element_type3A_205 = arith.truncf %concatenate3A : vector<325x1024xf32> to vector<325x1024xbf16>
    %dot_general3A_206 = arith.constant dense<0.000000e+00> : vector<512x1024xf32>
    %dot_general3A_207 = tpu.matmul %convert_element_type3A_204, %convert_element_type3A_205, %dot_general3A_206 {dimension_numbers = #tpu.dot_dimension_numbers<[1], [0], [0], [1], [0, 0, 1, 1], [], []>, transpose_lhs_hint = false} : vector<512x325xbf16>, vector<325x1024xbf16>, vector<512x1024xf32> -> vector<512x1024xf32>
    %add3A = arith.addf %dot_general3A_200, %dot_general3A_207 : vector<512x1024xf32>
    %get3A_208 = arith.constant 0 : index
    %get3A_209 = arith.constant 0 : index
    %get3A_210 = vector.load %arg4[%get3A_208, %get3A_209] : memref<512x1xf32, #tpu.memory_space<vmem>>, vector<512x1xf32>
    %add3A_211 = vector.broadcast %get3A_210 : vector<512x1xf32> to vector<512x1024xf32>
    %add3A_212 = arith.addf %add3A, %add3A_211 : vector<512x1024xf32>
    %max3A = arith.constant 0.000000e+00 : f32
    %max3A_213 = vector.broadcast %max3A : f32 to vector<512x1024xf32>
    %max3A_214 = arith.maximumf %add3A_212, %max3A_213 : vector<512x1024xf32>
    %get3A_215 = arith.constant 0 : index
    %get3A_216 = arith.constant 0 : index
    %get3A_217 = vector.load %arg5[%get3A_215, %get3A_216] : memref<256x512xf32, #tpu.memory_space<vmem>>, vector<256x512xf32>
    %convert_element_type3A_218 = arith.truncf %get3A_217 : vector<256x512xf32> to vector<256x512xbf16>
    %convert_element_type3A_219 = arith.truncf %max3A_214 : vector<512x1024xf32> to vector<512x1024xbf16>
    %dot_general3A_220 = arith.constant dense<0.000000e+00> : vector<256x1024xf32>
    %dot_general3A_221 = tpu.matmul %convert_element_type3A_218, %convert_element_type3A_219, %dot_general3A_220 {dimension_numbers = #tpu.dot_dimension_numbers<[1], [0], [0], [1], [0, 0, 1, 1], [], []>, transpose_lhs_hint = false} : vector<256x512xbf16>, vector<512x1024xbf16>, vector<256x1024xf32> -> vector<256x1024xf32>
    %get3A_222 = arith.constant 0 : index
    %get3A_223 = arith.constant 0 : index
    %get3A_224 = vector.load %arg6[%get3A_222, %get3A_223] : memref<256x1xf32, #tpu.memory_space<vmem>>, vector<256x1xf32>
    %add3A_225 = vector.broadcast %get3A_224 : vector<256x1xf32> to vector<256x1024xf32>
    %add3A_226 = arith.addf %dot_general3A_221, %add3A_225 : vector<256x1024xf32>
    %max3A_227 = arith.constant 0.000000e+00 : f32
    %max3A_228 = vector.broadcast %max3A_227 : f32 to vector<256x1024xf32>
    %max3A_229 = arith.maximumf %add3A_226, %max3A_228 : vector<256x1024xf32>
    %get3A_230 = arith.constant 0 : index
    %get3A_231 = arith.constant 0 : index
    %get3A_232 = vector.load %arg7[%get3A_230, %get3A_231] : memref<1x256xf32, #tpu.memory_space<vmem>>, vector<1x256xf32>
    %convert_element_type3A_233 = arith.truncf %get3A_232 : vector<1x256xf32> to vector<1x256xbf16>
    %convert_element_type3A_234 = arith.truncf %max3A_229 : vector<256x1024xf32> to vector<256x1024xbf16>
    %dot_general3A_235 = arith.constant dense<0.000000e+00> : vector<1x1024xf32>
    %dot_general3A_236 = tpu.matmul %convert_element_type3A_233, %convert_element_type3A_234, %dot_general3A_235 {dimension_numbers = #tpu.dot_dimension_numbers<[1], [0], [0], [1], [0, 0, 1, 1], [], []>, transpose_lhs_hint = false} : vector<1x256xbf16>, vector<256x1024xbf16>, vector<1x1024xf32> -> vector<1x1024xf32>
    %get3A_237 = arith.constant 0 : index
    %get3A_238 = arith.constant 0 : index
    %get3A_239 = vector.load %arg8[%get3A_237, %get3A_238] : memref<1x1xf32, #tpu.memory_space<vmem>>, vector<1x1xf32>
    %add3A_240 = vector.broadcast %get3A_239 : vector<1x1xf32> to vector<1x1024xf32>
    %add3A_241 = arith.addf %dot_general3A_236, %add3A_240 : vector<1x1024xf32>
    %swap3A = arith.constant 0 : index
    %swap3A_242 = arith.constant 0 : index
    %swap3A_243 = vector.load %arg9[%swap3A, %swap3A_242] : memref<1x1024xf32, #tpu.memory_space<vmem>>, vector<1x1024xf32>
    tpu.vector_store %arg9[%swap3A, %swap3A_242], %add3A_241 {strides = array<i32>} : memref<1x1024xf32, #tpu.memory_space<vmem>>, vector<1x1024xf32>,
    return
  }
  func.func @transform_0(%arg0: i32) -> (i32, i32) {
    %c0_i32 = arith.constant 0 : i32
    %c0_i32_0 = arith.constant 0 : i32
    return %c0_i32, %arg0 : i32, i32
  }
  func.func @transform_1(%arg0: i32) -> (i32, i32) {
    %c0_i32 = arith.constant 0 : i32
    %c0_i32_0 = arith.constant 0 : i32
    %c0_i32_1 = arith.constant 0 : i32
    return %c0_i32, %c0_i32_0 : i32, i32
  }
  func.func @transform_2(%arg0: i32) -> (i32, i32) {
    %c0_i32 = arith.constant 0 : i32
    %c0_i32_0 = arith.constant 0 : i32
    %c0_i32_1 = arith.constant 0 : i32
    return %c0_i32, %c0_i32_0 : i32, i32
  }
  func.func @transform_3(%arg0: i32) -> (i32, i32) {
    %c0_i32 = arith.constant 0 : i32
    %c0_i32_0 = arith.constant 0 : i32
    %c0_i32_1 = arith.constant 0 : i32
    return %c0_i32, %c0_i32_0 : i32, i32
  }
  func.func @transform_4(%arg0: i32) -> (i32, i32) {
    %c0_i32 = arith.constant 0 : i32
    %c0_i32_0 = arith.constant 0 : i32
    %c0_i32_1 = arith.constant 0 : i32
    return %c0_i32, %c0_i32_0 : i32, i32
  }
  func.func @transform_5(%arg0: i32) -> (i32, i32) {
    %c0_i32 = arith.constant 0 : i32
    %c0_i32_0 = arith.constant 0 : i32
    %c0_i32_1 = arith.constant 0 : i32
    return %c0_i32, %c0_i32_0 : i32, i32
  }
  func.func @transform_6(%arg0: i32) -> (i32, i32) {
    %c0_i32 = arith.constant 0 : i32
    %c0_i32_0 = arith.constant 0 : i32
    %c0_i32_1 = arith.constant 0 : i32
    return %c0_i32, %c0_i32_0 : i32, i32
  }
  func.func @transform_7(%arg0: i32) -> (i32, i32) {
    %c0_i32 = arith.constant 0 : i32
    %c0_i32_0 = arith.constant 0 : i32
    %c0_i32_1 = arith.constant 0 : i32
    return %c0_i32, %c0_i32_0 : i32, i32
  }
  func.func @transform_8(%arg0: i32) -> (i32, i32) {
    %c0_i32 = arith.constant 0 : i32
    %c0_i32_0 = arith.constant 0 : i32
    return %c0_i32, %arg0 : i32, i32
  }
}

</mosaic_0001>

<sc_bundles>
// kernel: kernel.4.cloned.1.call-start
scs
__scs_entry_jumppad:
0x0: {  	(pc) =	sbr.rel $0x88, $3  }
0x1: {  	(tag) =	ssettag $0x0;
	lr =	simm.s32 $0x1  }
0x2: {  	[smem:$0x3F99] =	sst lr;
	_ =	strace $0xD0000000  }
0x3: {  	_ = 	snop  }
0x4: {  	_ = 	snop  }
0x5: {  	_ = 	snop  }
0x6: {  	_ = 	snop  }
0x7: {  	_ = 	snop  }
__scs_overlays_trampoline_lowered:
0x8: {  	[smem:$0x3FA8] =	sst s0  }
0x9: {  	[smem:$0x3FA9] =	sst s1  }
0xa: {  	[smem:$0x3FAA] =	sst s2  }
0xb: {  	[smem:$0x3FAB] =	sst s3  }
0xc: {  	[smem:$0x3FAC] =	sst s4  }
0xd: {  	[smem:$0x3FAD] =	sst s5  }
0xe: {  	[smem:$0x3FAE] =	sst s6  }
0xf: {  	[smem:$0x3FAF] =	sst s7  }
0x10: {  	[smem:$0x3FB0] =	sst s8  }
0x11: {  	[smem:$0x3FB1] =	sst s9;
	s0 =	simm.s32 @!p0 $0x0  }
0x12: {  	s1 =	sld [smem:$0x3F97];
	s0 =	simm.s32 @p0 $0x1  }
0x13: {  	[smem:$0x3FB2] =	sst s0;
	s0 =	simm.s32 @!p1 $0x0  }
0x14: {  	s2 =	sld [smem:$0x3F96];
	s0 =	simm.s32 @p1 $0x1  }
0x15: {  	[smem:$0x3FB3] =	sst s0;
	s0 =	simm.s32 @!p2 $0x0  }
0x16: {  	s3 =	sld [smem:$0x3FDB];
	s0 =	simm.s32 @p2 $0x1  }
0x17: {  	s4 =	simm.s32 $0x1BF5;
	[smem:$0x3FB5] =	sst s0  }
0x18: {  	s0 =	sld [smem:$0x3F98];
	_ =	swait.ge [sflag:s4], $0x0  }
0x19: {  	s7 =	sld [smem:$0x3F99]  }
0x1a: {  	s8 =	sadd.s32 $0xFFFFE003, lr  }
0x1b: {  	s9 =	sadd.s32 $0xFFFFFEF7, lr;
	s5 =	simm.s32 $0xFFFFFFFF;
	p2 =	slt.u32 s8, $0xFFFFF086  }
0x1c: {  	p1 =	slt.u32 s9, $0xF7A;
	s5 =	simm.s32 @!p2 $0x0  }
0x1d: {  	s5 =	simm.s32 @p1 $0x1;
	p0 =	seq.s32 s7, s2  }
0x1e: {  	s7 =	smul.u32 @!p0 $0xF7A, s2;
	p2 =	seq.s32 @!p0 s5, $0x0  }
0x1f: {  	s9 =	smul.u32 $0xF7A, s1;
	s8 =	simm.s32 @!p0 $0x1BF5;
	p2 =	por !p2, p0  }
0x20: {  	[sflag:s8] =	ssyncset.s32 @!p0 $0xFFFFF086;
	s6 =	sadd.s32 @!p0 s3, s7;
	s7 =	simm.s32 @!p0 $0x108  }
0x21: {  	s3 =	sadd.s32 s3, s9;
	s6 =	sadd.s32 @!p0 $0x88, s6;
	s7 =	simm.s32 @p2 $0x1082  }
0x22: {  	[simem:s7], [sflag:s8] =	dma.local @!p0 [hbm:s6], $0xF7A  }
0x23: {  	s9 =	sor.u32 $0xD0000000, s2;
	s6 =	simm.s32 $0x108;
	_ =	swait.ge @!p0 [sflag:s8], $0x0  }
0x24: {  	s3 =	sadd.s32 $0x88, s3;
	s6 =	simm.s32 @!p1 $0x1082;
	[sflag:s4] =	ssyncset.s32 $0xFFFFF086  }
0x25: {  	[simem:s6], [sflag:s4] =	dma.local [hbm:s3], $0xF7A  }
0x26: {  	[smem:$0x3F99] =	sst s1;
	(tag) =	ssettag s2;
	_ =	strace s9  }
0x27: {  	s1 =	sld [smem:$0x3FA9]  }
0x28: {  	s2 =	sld [smem:$0x3FAA]  }
0x29: {  	s4 =	sld [smem:$0x3FAC]  }
0x2a: {  	p0 =	seq.s32 s5, $0x0;
	s5 =	sld [smem:$0x3FAD]  }
0x2b: {  	s6 =	sld [smem:$0x3FAE]  }
0x2c: {  	s7 =	sld [smem:$0x3FAF]  }
0x2d: {  	s3 =	simm.s32 $0x108;
	s8 =	sld [smem:$0x3FB0]  }
0x2e: {  	s3 =	simm.s32 @!p0 $0x1082;
	s9 =	sld [smem:$0x3FB1]  }
0x2f: {  	lr =	sadd.s32 s0, s3;
	s0 =	sld [smem:$0x3FA8]  }
0x30: {  	s3 =	sld [smem:$0x3FAB]  }
0x31: {  	[smem:$0x3FB4] =	sst s10  }
0x32: {  	s10 =	sld [smem:$0x3FB2];
	_ =	sdelay $0x3  }
0x33: {  	p0 =	seq.s32 s10, $0x1;
	s10 =	sld [smem:$0x3FB4];
	_ =	sdelay $0x3  }
0x34: {  	[smem:$0x3FB4] =	sst s10  }
0x35: {  	s10 =	sld [smem:$0x3FB3];
	_ =	sdelay $0x3  }
0x36: {  	p1 =	seq.s32 s10, $0x1;
	s10 =	sld [smem:$0x3FB4];
	_ =	sdelay $0x3  }
0x37: {  	[smem:$0x3FB4] =	sst s10  }
0x38: {  	s10 =	sld [smem:$0x3FB5]  }
0x39: {  	_ = 	snop;
	(pc) =	sbr.ind lr, $3  }
0x3a: {  	_ = 	snop  }
0x3b: {  	_ = 	snop  }
0x3c: {  	p2 =	seq.s32 s10, $0x1;
	s10 =	sld [smem:$0x3FB4]  }
0x3d: {  	_ =	shalt  }
0x3e: {  	_ =	shalt  }
0x3f: {  	_ =	shalt  }
0x40: {  	_ =	shalt  }
0x41: {  	_ =	shalt  }
0x42: {  	_ =	shalt  }
0x43: {  	_ =	shalt  }
0x44: {  	_ =	shalt  }
0x45: {  	_ =	shalt  }
0x46: {  	_ =	shalt  }
0x47: {  	_ =	shalt  }
0x48: {  	_ =	shalt  }
0x49: {  	_ =	shalt  }
0x4a: {  	_ =	shalt  }
0x4b: {  	_ =	shalt  }
0x4c: {  	_ =	shalt  }
0x4d: {  	_ =	shalt  }
0x4e: {  	_ =	shalt  }
0x4f: {  	_ =	shalt  }
0x50: {  	_ =	shalt  }
0x51: {  	_ =	shalt  }
0x52: {  	_ =	shalt  }
0x53: {  	_ =	shalt  }
0x54: {  	_ =	shalt  }
0x55: {  	_ =	shalt  }
0x56: {  	_ =	shalt  }
0x57: {  	_ =	shalt  }
0x58: {  	_ =	shalt  }
0x59: {  	_ =	shalt  }
0x5a: {  	_ =	shalt  }
0x5b: {  	_ =	shalt  }
0x5c: {  	_ =	shalt  }
0x5d: {  	_ =	shalt  }
0x5e: {  	_ =	shalt  }
0x5f: {  	_ =	shalt  }
0x60: {  	_ =	shalt  }
0x61: {  	_ =	shalt  }
0x62: {  	_ =	shalt  }
0x63: {  	_ =	shalt  }
0x64: {  	_ =	shalt  }
0x65: {  	_ =	shalt  }
0x66: {  	_ =	shalt  }
0x67: {  	_ =	shalt  }
0x68: {  	_ =	shalt  }
0x69: {  	_ =	shalt  }
0x6a: {  	_ =	shalt  }
0x6b: {  	_ =	shalt  }
0x6c: {  	_ =	shalt  }
0x6d: {  	_ =	shalt  }
0x6e: {  	_ =	shalt  }
0x6f: {  	_ =	shalt  }
0x70: {  	_ =	shalt  }
0x71: {  	_ =	shalt  }
0x72: {  	_ =	shalt  }
0x73: {  	_ =	shalt  }
0x74: {  	_ =	shalt  }
0x75: {  	_ =	shalt  }
0x76: {  	_ =	shalt  }
0x77: {  	_ =	shalt  }
0x78: {  	_ =	shalt  }
0x79: {  	_ =	shalt  }
0x7a: {  	_ =	shalt  }
0x7b: {  	_ =	shalt  }
0x7c: {  	_ =	shalt  }
0x7d: {  	_ =	shalt  }
0x7e: {  	_ =	shalt  }
0x7f: {  	_ =	shalt  }
0x80: {  	_ =	shalt  }
0x81: {  	_ =	shalt  }
0x82: {  	_ =	shalt  }
0x83: {  	_ =	shalt  }
0x84: {  	_ =	shalt  }
0x85: {  	_ =	shalt  }
0x86: {  	_ =	shalt  }
0x87: {  	_ =	shalt  }
.Lfunc_end0:
.L_simem_size_0:
called_computation_lowered:
.L_overlay_start_0:
0x88: {  	s2 =	sld [smem:$0x3FD9]  }
0x89: {  	s3 =	sld [smem:$0x3FFE];
	_ =	sdelay $0x1  }
0x8a: {  	s1 =	srdreg.scid  }
0x8b: {  	s0 =	sand.u32 $0x1, s1  }
0x8c: {  	s16 =	sshll.u32 s0, $0xA;
	s2 =	sadd.s32 s3, s2  }
0x8d: {  	s2 =	sadd.s32 s2, s16  }
0x8e: {  	[smem:$0x3FC0] =	sst s2  }
0x8f: {  	_ = 	snop  }
0x90: {  	(tm) =	ssettm $0x1  }
0x91: {  	s17 =	sld [smem:$0x3FFB];
	_ =	sdelay $0x3  }
0x92: {  	_ =	strace s17  }
0x93: {  	s2 =	sld [smem:$0x3FFC];
	_ =	sdelay $0x3  }
0x94: {  	_ =	strace s2  }
0x95: {  	s2 =	sld [smem:$0x3FFD];
	_ =	sdelay $0x3  }
0x96: {  	_ =	strace s2  }
0x97: {  	_ =	strace $0x8FFFFFFF  }
0x98: {  	s18 =	sld [smem:$0x3FDB];
	_ =	sdelay $0x1  }
0x99: {  	s19 =	simm.s32 $_scs_section_size  }
0x9a: {  	s4 =	simm.s32 $_size__tile_overlayer_lowered;
	s5 =	simm.s32 $_tile_overlayer_lowered  }
0x9b: {  	s22 =	simm.s32 $0x1BFF;
	s21 =	sshll.u32 s5, $0x1;
	s2 =	sadd.s32 s19, s18  }
0x9c: {  	s6 =	simm.s32 $0x0;
	s20 =	sshll.u32 s4, $0x1;
	s4 =	sadd.s32 s21, s2  }
0x9d: {  	[timem:s6], [sflag:s22] =	dma.local [hbm:s4], s20  }
0x9e: {  	_ =	swait.ge [sflag:s22], s20  }
0x9f: {  	s3 =	ssub.s32 $0x0, s20;
	[sflag:s22] =	ssyncset.done $0x0  }
0xa0: {  	[sflag:s22] =	ssyncadd.s32 s3;
	_ =	sdelay $0x1  }
0xa1: {  	s23 =	simm.s32 $0x1B8B  }
0xa2: {  	_ =	swait.ge [sflag:s23], $0x1  }
0xa3: {  	[sflag:s23] =	ssyncset.done $0x0  }
0xa4: {  	s25 =	simm.s32 $0x1B8E;
	s24 =	sld [smem:$0x3FFE];
	[sflag:s23] =	ssyncadd.s32 $0xFFFFFFFF  }
0xa5: {  	s26 =	simm.s32 $execute0_lowered;
	[smem:$0x3FD2] =	sst s25  }
0xa6: {  	s4 =	sshll.u32 s26, $0x1;
	_ =	strace $0x80000046;
	[dreg:$0x1] =	wrdreg $0xFFFFFFFF  }
0xa7: {  	s28 =	simm.s32 $_size_execute0_lowered;
	s2 =	sadd.s32 s2, s4;
	[dreg:$0x0] =	wrdreg $0x0  }
0xa8: {  	s4 =	sshll.u32 s28, $0x1;
	[dreg:$0x2] =	wrdreg s2  }
0xa9: {  	[dreg:$0x3] =	wrdreg s4  }
0xaa: {  	[dreg:$0x4] =	wrdreg $0xC0  }
0xab: {  	_ =	task [dreg:s6], $0x5FFFF  }
0xac: {  	[dreg:$0x1] =	wrdreg $0xFFFFFFFF  }
0xad: {  	[dreg:$0x0] =	wrdreg $0x60  }
0xae: {  	[dreg:$0x2] =	wrdreg s24  }
0xaf: {  	[dreg:$0x3] =	wrdreg $0x9  }
0xb0: {  	_ =	task.clear_ibuf [dreg:s6], $0x4FFFF;
	_ =	strace $0x90000046  }
0xb1: {  	s29 =	simm.s32 $0x9;
	_ =	strace $0x80000048  }
0xb2: {  	_ =	swait.ge [sflag:s29], $0x1  }
0xb3: {  	[sflag:s29] =	ssyncadd.s32 $0xFFFFFFFF  }
0xb4: {  	_ =	strace $0x90000048  }
0xb5: {  	_ =	sfence  }
0xb6: {  	s30 =	sld [smem:$0x0];
	_ =	sdelay $0x2  }
0xb7: {  	s31 =	sshll.u32 s1, $0xD;
	s1 =	sshrl.u32 s1, $0x2  }
0xb8: {  	s3 =	sand.u32 $0x4000, s31;
	s1 =	sadd.s32 s1, s30  }
0xb9: {  	s0 =	sor.u32 s3, s0;
	s1 =	sshll.u32 s1, $0x11  }
0xba: {  	s0 =	sor.u32 s1, s0  }
0xbb: {  	s0 =	sadd.s32 $0x8F2B, s0  }
0xbc: {  	[sflag:s0] =	ssyncadd.remote.s32 $0x1  }
0xbd: {  	_ =	sfence.sel $0xFFFF  }
0xbe: {  	[dreg:$0x0] =	wrdreg $0xFFFFFFFF;
	(pc) =	sbr.abs _section_cstart, $3  }
0xbf: {  	[dreg:$0x1] =	wrdreg $0xFFFFFFFF  }
0xc0: {  	_ =	task.clear_ibuf [dreg:s6], $0x2FFFF;
	_ =	strace $0x9FFFFFFF  }
0xc1: {  	(tm) =	ssettm $0x7FFFFFFF  }
tec
execute0_lowered:
.L_overlay_start_1:
0x0: {  	(tag) =	ssettag $0x1  }
0x1: {  	s5 =	rddreg [dreg:$0x0]  }
0x2: {  	s0 =	rddreg [dreg:$0x1];
	s1 =	simm.s32 $0x0;
	s2 =	srdreg.scid  }
0x3: {  	s10 =	simm.s32 $0x2;
	s11 =	simm.s32 $0x0;
	[smem:$0x7FF] =	sst s1  }
0x4: {  	s6 =	sand.u32 $0x1, s2;
	s3 =	sadd.s32 $0x1600, s5;
	s2 =	stileid.u32  }
0x5: {  	s4 =	sadd.s32 $0x9EC800, s5;
	s5 =	sadd.s32 $0x9F9800, s5;
	s7 =	ssub.s32 $0x2, s6  }
0x6: {  	_ =	strace $0x80000047;
	s9 =	sshll.u32 s2, $0x1;
	s8 =	sshrl.u32 s7, $0x1  }
0x7: {  	s6 =	sor.u32 s6, s9;
	s9 =	simm.s32 $0x1C6A0;
	s7 =	ssub.s32 s7, s8  }
0x8: {  	s6 =	smul.u32 $0x1A, s6;
	s8 =	simm.s32 $0x1;
	s7 =	smax.u32 s7, $0x1  }
.LBB2_1:
0x9: {  	s13 =	simm.s32 $0xFFFFFFFF;
	s12 =	simm.s32 $0x0  }
.LBB2_2:
0xa: {  	s14 =	sadd.s32 s6, s12  }
0xb: {  	s15 =	smov.u32 s13;
	s13 =	sshrl.u32 s14, $0x5  }
0xc: {  	s17 =	sand.u32 $0x1F, s14;
	s16 =	smul.u32 $0x30D400, s13  }
0xd: {  	s17 =	smul.u32 $0x186A0, s17;
	_ =	sdelay $0x1  }
0xe: {  	p0 =	seq.s32 s13, s15;
	s16 =	sadd.s32 s17, s16  }
0xf: {  	s15 =	sshll.u32 @!p0 s13, $0xB;
	s16 =	sshrl.u32 s16, $0x3  }
0x10: {  	s15 =	sand.u32 @!p0 $0x1FFFF800, s15;
	s16 =	sadd.s32 s3, s16  }
0x11: {  	[tilespmem:s1], [sflag:$0x1] =	stream.linear.gather [hbm4b:s16+s1], $0x186A0, $0x38;
	[tilespmem:$0x1E6A0] =	vst v63  }
0x12: {  	s17 =	simm.s32 @!p0 $0x186A0;
	s15 =	sadd.s32 @!p0 s4, s15;
	s16 =	simm.s32 @!p0 $0x0  }
0x13: {  	[tilespmem:s17], [sflag:$0x2] =	stream.linear.gather @!p0 [hbm4b:s15+s16], $0x4000, $0x38;
	[tilespmem:$0x1E6A0] =	vst v63  }
0x14: {  	s15 =	simm.s32 @!p0 $0x2  }
0x15: {  	_ =	swait.ge @!p0 [sflag:s15], $0x4000  }
0x16: {  	[sflag:s15] =	ssyncset.done @!p0 $0x0  }
0x17: {  	[sflag:s15] =	ssyncadd.s32 @!p0 $0xFFFFC000  }
0x18: {  	_ =	swait.ge [sflag:s8], $0x186A0  }
0x19: {  	[sflag:s8] =	ssyncset.done $0x0  }
0x1a: {  	s15 =	simm.s32 $0x0;
	[sflag:s8] =	ssyncadd.s32 $0xFFFE7960  }
0x1b: {  	v0 =	vld [tilespmem:s15+$0x186A0];
	_ =	sdelay $0x5  }
0x1c: {  	v1 =	vld [tilespmem:s15+$0x186B0];
	_ =	sdelay $0x1  }
0x1d: {  	v0 =	vld.idx.msk [tilespmem:v0+s1+$0x0], $0xffff;
	_ =	sdelay $0x4  }
0x1e: {  	v2 =	vld [tilespmem:s15+$0x186C0];
	[tilespmem:s15+$0x1C6A0] =	vst v0  }
0x1f: {  	v0 =	vld.idx.msk [tilespmem:v1+s1+$0x0], $0xffff;
	_ =	sdelay $0x4  }
0x20: {  	[tilespmem:s15+$0x1C6B0] =	vst v0;
	v0 =	vld [tilespmem:s15+$0x186D0];
	_ =	sdelay $0x1  }
0x21: {  	v1 =	vld.idx.msk [tilespmem:v2+s1+$0x0], $0xffff;
	_ =	sdelay $0x3  }
0x22: {  	s17 =	simm.s32 $0x40;
	s16 =	simm.s32 $0x200  }
.LBB2_3:
0x23: {  	p0 =	sne.s32 s16, $0x7F00;
	v2 =	vld [tilespmem:s17+$0x186A0];
	[tilespmem:s15+$0x1C6C0] =	vst v1  }
0x24: {  	v0 =	vld.idx.msk [tilespmem:v0+s1+$0x0], $0xffff;
	_ =	sdelay $0x5  }
0x25: {  	v1 =	vld [tilespmem:s17+$0x186B0];
	[tilespmem:s15+$0x1C6D0] =	vst v0;
	s15 =	smov.u32 s17  }
0x26: {  	v0 =	vld.idx.msk [tilespmem:v2+s1+$0x0], $0xffff;
	_ =	sdelay $0x5  }
0x27: {  	[tilespmem:s15+$0x1C6A0] =	vst v0;
	v2 =	vld [tilespmem:s15+$0x186C0]  }
0x28: {  	v0 =	vld.idx.msk [tilespmem:v1+s1+$0x0], $0xffff;
	_ =	sdelay $0x5  }
0x29: {  	[tilespmem:s15+$0x1C6B0] =	vst v0;
	v0 =	vld [tilespmem:s15+$0x186D0]  }
0x2a: {  	v1 =	vld.idx.msk [tilespmem:v2+s1+$0x0], $0xffff  }
.Ltmp0:
0x2b: {  	(pc) =	sbr.rel @p0 .LBB2_3-.Ltmp0, $2  }
0x2c: {  	_ =	sdelay $0x2  }
0x2d: {  	s17 =	sshra.s32 s16, $0x2;
	s16 =	sadd.s32 $0x100, s16  }
0x2e: {  	_ =	sdelay $0x1  }
0x2f: {  	v2 =	vld [tilespmem:s17+$0x186A0]  }
0x30: {  	[tilespmem:s15+$0x1C6C0] =	vst v1  }
0x31: {  	v0 =	vld.idx.msk [tilespmem:v0+s1+$0x0], $0xffff;
	_ =	sdelay $0x3  }
0x32: {  	v1 =	vld [tilespmem:s17+$0x186B0]  }
0x33: {  	[tilespmem:s15+$0x1C6D0] =	vst v0  }
0x34: {  	v0 =	vld.idx.msk [tilespmem:v2+s1+$0x0], $0xffff;
	_ =	sdelay $0x4  }
0x35: {  	[tilespmem:s17+$0x1C6A0] =	vst v0;
	v0 =	vld [tilespmem:s17+$0x186C0]  }
0x36: {  	v1 =	vld.idx.msk [tilespmem:v1+s1+$0x0], $0xffff;
	_ =	sdelay $0x4  }
0x37: {  	[tilespmem:s17+$0x1C6B0] =	vst v1;
	v1 =	vld [tilespmem:s17+$0x186D0];
	_ =	sdelay $0x1  }
0x38: {  	v0 =	vld.idx.msk [tilespmem:v0+s1+$0x0], $0xffff;
	_ =	sdelay $0x4  }
0x39: {  	[tilespmem:s17+$0x1C6C0] =	vst v0  }
0x3a: {  	v0 =	vld.idx.msk [tilespmem:v1+s1+$0x0], $0xffff;
	_ =	sdelay $0x3  }
0x3b: {  	s14 =	sshll.u32 s14, $0xB  }
0x3c: {  	s16 =	simm.s32 $0x0;
	s31 =	sadd.s32 s5, s14;
	[tilespmem:s17+$0x1C6D0] =	vst v0  }
0x3d: {  	[hbm4b:s31+s16] =	stream.linear.scatter [tilespmem:s9], [sflag:$0x2], $0x2000, $0x38;
	[tilespmem:$0x1E6A0] =	vst v63  }
0x3e: {  	_ =	swait.ge [sflag:s10], $0x2000  }
0x3f: {  	[sflag:s10] =	ssyncset.done $0x0  }
0x40: {  	s15 =	simm.s32 $0x0;
	[sflag:s10] =	ssyncadd.s32 $0xFFFFE000  }
0x41: {  	v0 =	vld [tilespmem:s15+$0x1A6A0];
	_ =	sdelay $0x5  }
0x42: {  	v1 =	vld [tilespmem:s15+$0x1A6B0];
	_ =	sdelay $0x1  }
0x43: {  	v0 =	vld.idx.msk [tilespmem:v0+s1+$0x0], $0xffff;
	_ =	sdelay $0x4  }
0x44: {  	v2 =	vld [tilespmem:s15+$0x1A6C0];
	[tilespmem:s15+$0x1C6A0] =	vst v0  }
0x45: {  	v0 =	vld.idx.msk [tilespmem:v1+s1+$0x0], $0xffff;
	_ =	sdelay $0x4  }
0x46: {  	[tilespmem:s15+$0x1C6B0] =	vst v0;
	v0 =	vld [tilespmem:s15+$0x1A6D0];
	_ =	sdelay $0x1  }
0x47: {  	v1 =	vld.idx.msk [tilespmem:v2+s1+$0x0], $0xffff;
	_ =	sdelay $0x3  }
0x48: {  	s17 =	simm.s32 $0x40;
	s16 =	simm.s32 $0x200  }
.LBB2_5:
0x49: {  	p0 =	sne.s32 s16, $0x7F00;
	v2 =	vld [tilespmem:s17+$0x1A6A0];
	[tilespmem:s15+$0x1C6C0] =	vst v1  }
0x4a: {  	v0 =	vld.idx.msk [tilespmem:v0+s1+$0x0], $0xffff;
	_ =	sdelay $0x5  }
0x4b: {  	v1 =	vld [tilespmem:s17+$0x1A6B0];
	[tilespmem:s15+$0x1C6D0] =	vst v0;
	s15 =	smov.u32 s17  }
0x4c: {  	v0 =	vld.idx.msk [tilespmem:v2+s1+$0x0], $0xffff;
	_ =	sdelay $0x5  }
0x4d: {  	[tilespmem:s15+$0x1C6A0] =	vst v0;
	v2 =	vld [tilespmem:s15+$0x1A6C0]  }
0x4e: {  	v0 =	vld.idx.msk [tilespmem:v1+s1+$0x0], $0xffff;
	_ =	sdelay $0x5  }
0x4f: {  	[tilespmem:s15+$0x1C6B0] =	vst v0;
	v0 =	vld [tilespmem:s15+$0x1A6D0]  }
0x50: {  	v1 =	vld.idx.msk [tilespmem:v2+s1+$0x0], $0xffff  }
.Ltmp1:
0x51: {  	(pc) =	sbr.rel @p0 .LBB2_5-.Ltmp1, $2  }
0x52: {  	_ =	sdelay $0x2  }
0x53: {  	s17 =	sshra.s32 s16, $0x2;
	s16 =	sadd.s32 $0x100, s16  }
0x54: {  	_ =	sdelay $0x1  }
0x55: {  	v2 =	vld [tilespmem:s17+$0x1A6A0]  }
0x56: {  	[tilespmem:s15+$0x1C6C0] =	vst v1  }
0x57: {  	v0 =	vld.idx.msk [tilespmem:v0+s1+$0x0], $0xffff;
	_ =	sdelay $0x3  }
0x58: {  	v1 =	vld [tilespmem:s17+$0x1A6B0]  }
0x59: {  	[tilespmem:s15+$0x1C6D0] =	vst v0  }
0x5a: {  	v0 =	vld.idx.msk [tilespmem:v2+s1+$0x0], $0xffff;
	_ =	sdelay $0x3  }
0x5b: {  	v62 =	vld [tilespmem:s17+$0x1A6C0]  }
0x5c: {  	[tilespmem:s17+$0x1C6A0] =	vst v0  }
0x5d: {  	v1 =	vld.idx.msk [tilespmem:v1+s1+$0x0], $0xffff;
	_ =	sdelay $0x3  }
0x5e: {  	v63 =	vld [tilespmem:s17+$0x1A6D0]  }
0x5f: {  	[tilespmem:s17+$0x1C6B0] =	vst v1  }
0x60: {  	v0 =	vld.idx.msk [tilespmem:v62+s1+$0x0], $0xffff;
	_ =	sdelay $0x4  }
0x61: {  	[tilespmem:s17+$0x1C6C0] =	vst v0  }
0x62: {  	v0 =	vld.idx.msk [tilespmem:v63+s1+$0x0], $0xffff;
	_ =	sdelay $0x2  }
0x63: {  	s12 =	sadd.s32 $0x1, s12  }
0x64: {  	s14 =	sadd.s32 s14, s5;
	p0 =	sne.s32 s12, $0x1A  }
.Ltmp2:
0x65: {  	s14 =	sadd.s32 $0x400, s14;
	[tilespmem:s17+$0x1C6D0] =	vst v0;
	(pc) =	sbr.rel @p0 .LBB2_2-.Ltmp2, $4  }
0x66: {  	[hbm4b:s14+s1] =	stream.linear.scatter [tilespmem:s9], [sflag:$0x2], $0x2000, $0x38;
	[tilespmem:$0x1E6A0] =	vst v63  }
0x67: {  	_ =	swait.ge [sflag:s10], $0x2000  }
0x68: {  	[sflag:s10] =	ssyncset.done $0x0  }
0x69: {  	[sflag:s10] =	ssyncadd.s32 $0xFFFFE000  }
0x6a: {  	s11 =	sadd.s32 $0x1, s11  }
0x6b: {  	p0 =	sne.s32 s11, s7  }
.Ltmp3:
0x6c: {  	_ = 	snop;
	(pc) =	sbr.rel @p0 .LBB2_1-.Ltmp3, $1  }
0x6d: {  	_ =	sdelay $0x3  }
0x6e: {  	_ =	sfence.sel $0x180000  }
0x6f: {  	[bflag:$0x0] =	sbarrier.arrive $0xFFFF  }
0x70: {  	p0 =	sne.s32 s2, $0x0;
	_ =	strace $0x90000047  }
0x71: {  	s0 =	sadd.s32 @!p0 $0x100000, s0;
	[bflag:$0x2] =	sbarrier.arrive $0xFFFF  }
0x72: {  	[sflag:s0] =	ssyncadd.tile.s32 @!p0 $0x1;
	_ =	shalt  }
.Lfunc_end2:
_tile_overlayer_lowered:
.L_overlay_start_2:
0x73: {  	(tag) =	ssettag $0x2  }
0x74: {  	s0 =	rddreg [dreg:$0x0];
	s2 =	stileid.u32  }
0x75: {  	s1 =	rddreg [dreg:$0x1];
	p0 =	sne.s32 s2, $0x0  }
0x76: {  	s3 =	rddreg [dreg:$0x2];
	[bflag:$0x3] =	sbarrier.arrive $0xFFFF;
	s2 =	simm.s32 @!p0 $0x1C02  }
0x77: {  	[timem:s3], [sflag:s2] =	dma.local @!p0 [hbm:s0], s1  }
0x78: {  	s0 =	simm.s32 @!p0 $0x2  }
0x79: {  	_ =	swait.ge @!p0 [sflag:s0], s1  }
0x7a: {  	s1 =	ssub.s32 @!p0 $0x0, s1;
	[sflag:s0] =	ssyncset.done @!p0 $0x0  }
0x7b: {  	[sflag:s0] =	ssyncadd.s32 @!p0 s1  }
0x7c: {  	[bflag:$0x3] =	sbarrier.arrive $0xFFFF  }
0x7d: {  	_ =	shalt  }

</sc_bundles>
